<compile_context>
chip_gen: v7x
topology: tpu7x:2x2x1
jax: 0.10.2.dev20260603
libtpu: 0.0.44.dev20260713+nightly
codegen_flags: <defaults>
</compile_context>

<pallas_src>
import functools

import jax
import jax.numpy as jnp
from jax import lax
from jax.experimental import pallas as pl
from jax.experimental.pallas import tpu as pltpu
from jax.experimental.pallas import tpu_sc as plsc

B = 16384
D = 128
NC = 2
NS = 16
NW = NC * NS
B_PER_W = B // NW
CHUNK = 128
NCHUNK = B_PER_W // CHUNK


def _encoder_kernel(uids, aids, bids, utab, atab, btab, out,
                    idx_v, rows_v, gsem):
    wid = lax.axis_index("s") * NC + lax.axis_index("c")
    base = wid * B_PER_W
    tables = ((uids, utab, (0, 1, 2)), (aids, atab, (3, 4)),
              (bids, btab, (5, 6)))
    for ids_hbm, tab_hbm, planes in tables:
        pltpu.sync_copy(ids_hbm.at[pl.ds(base, B_PER_W)], idx_v)
        copies = []
        for i in range(NCHUNK):
            copies.append(pltpu.async_copy(
                tab_hbm.at[idx_v.at[pl.ds(i * CHUNK, CHUNK)]],
                rows_v.at[pl.ds(i * CHUNK, CHUNK)], gsem))
        for c in copies:
            c.wait()
        for j in planes:
            pltpu.sync_copy(rows_v, out.at[j, pl.ds(base, B_PER_W)])


def kernel(user_ids, item_a_ids, item_b_ids, user_table, item_a_table,
           item_b_table):
    mesh = plsc.VectorSubcoreMesh(core_axis_name="c", subcore_axis_name="s")
    run = functools.partial(
        pl.kernel,
        mesh=mesh,
        out_type=jax.ShapeDtypeStruct((7, B, D), jnp.float32),
        scratch_types=[
            pltpu.VMEM((B_PER_W,), jnp.int32),
            pltpu.VMEM((B_PER_W, D), jnp.float32),
            pltpu.SemaphoreType.DMA,
        ],
    )(_encoder_kernel)
    return run(user_ids.astype(jnp.int32), item_a_ids.astype(jnp.int32),
               item_b_ids.astype(jnp.int32), user_table, item_a_table,
               item_b_table)

# --- scband reference (transcript-rebuilt; emitter-appended) ---
"""Pipeline reference for scband-embedding-encoder-48275432407736 (READ-ONLY COPY).

The authoritative reference and input builder live on the scoring server;
editing this copy changes nothing except your own understanding.
"""

import jax, jax.numpy as jnp
import numpy as np

NUM_USERS = 100000
NUM_ITEMS_A = 100000
NUM_ITEMS_B = 100000
INPUT_DIM = 128
BATCH = 16384


def setup_inputs(seed: int = 0) -> dict:
    key = jax.random.key(seed)
    ks = jax.random.split(key, 6)
    user_ids = jax.random.randint(ks[0], (BATCH,), 0, NUM_USERS, dtype=jnp.int64 if jax.config.jax_enable_x64 else jnp.int32)
    item_a_ids = jax.random.randint(ks[1], (BATCH,), 0, NUM_ITEMS_A, dtype=jnp.int64 if jax.config.jax_enable_x64 else jnp.int32)
    item_b_ids = jax.random.randint(ks[2], (BATCH,), 0, NUM_ITEMS_B, dtype=jnp.int64 if jax.config.jax_enable_x64 else jnp.int32)
    # nn.Embedding weights initialized with normal(std=0.01), as in the torch module.
    user_table = jax.random.normal(ks[3], (NUM_USERS, INPUT_DIM), dtype=jnp.float32) * 0.01
    item_a_table = jax.random.normal(ks[4], (NUM_ITEMS_A, INPUT_DIM), dtype=jnp.float32) * 0.01
    item_b_table = jax.random.normal(ks[5], (NUM_ITEMS_B, INPUT_DIM), dtype=jnp.float32) * 0.01
    return {
        "user_ids": user_ids,
        "item_a_ids": item_a_ids,
        "item_b_ids": item_b_ids,
        "user_table": user_table,
        "item_a_table": item_a_table,
        "item_b_table": item_b_table,
    }


def reference(user_ids, item_a_ids, item_b_ids, user_table, item_a_table, item_b_table):
    # Faithful to EmbeddingEncoder.forward: the 'user' ntype shares ONE table across
    # inner_<domain>_user (per graph_domain) and outer_user; each item ntype shares one
    # table between inner_<ntype>_item and outer_<ntype>. Each dict entry is an
    # independent embedding gather on the batch node ids.
    inner_domain_a_user = jnp.take(user_table, user_ids, axis=0)
    inner_domain_b_user = jnp.take(user_table, user_ids, axis=0)
    outer_user = jnp.take(user_table, user_ids, axis=0)
    inner_item_a_item = jnp.take(item_a_table, item_a_ids, axis=0)
    outer_item_a = jnp.take(item_a_table, item_a_ids, axis=0)
    inner_item_b_item = jnp.take(item_b_table, item_b_ids, axis=0)
    outer_item_b = jnp.take(item_b_table, item_b_ids, axis=0)
    # Stack the 7 same-shape dict values into one array [7, B, D] for a single output.
    return jnp.stack([
        inner_domain_a_user,
        inner_domain_b_user,
        outer_user,
        inner_item_a_item,
        outer_item_a,
        inner_item_b_item,
        outer_item_b,
    ], axis=0)

if __name__ == "__main__":
    import jax
    _d = setup_inputs()
    print(jax.jit(kernel)(*tuple(_d.values())))

</pallas_src>

<mosaic_0001>
#map = affine_map<(d0, d1) -> (0)>
#map1 = affine_map<(d0, d1) -> (0, 0)>
#map2 = affine_map<(d0, d1) -> (0, 0, 0)>
module attributes {stable_mosaic.version = 14 : i64} {
  func.func @_encoder_kernel(%arg0: i32, %arg1: i32, %arg2: memref<16384xi32, #tpu.memory_space<hbm>>, %arg3: memref<16384xi32, #tpu.memory_space<hbm>>, %arg4: memref<16384xi32, #tpu.memory_space<hbm>>, %arg5: memref<100000x128xf32, #tpu.memory_space<hbm>>, %arg6: memref<100000x128xf32, #tpu.memory_space<hbm>>, %arg7: memref<100000x128xf32, #tpu.memory_space<hbm>>, %arg8: memref<7x16384x128xf32, #tpu.memory_space<hbm>>, %arg9: memref<512xi32, #tpu.memory_space<vmem>>, %arg10: memref<512x128xf32, #tpu.memory_space<vmem>>, %arg11: memref<!tpu.dma_semaphore, #tpu.memory_space<semaphore_mem>>) attributes {dimension_semantics = [#tpu.dimension_semantics<core_parallel>, #tpu.dimension_semantics<subcore_parallel>], iteration_bounds = array<i64: 2, 16>, scalar_prefetch = 0 : i64, scratch_operands = 3 : i64, tpu.core_type = #tpu.core_type<sc_vector_subcore>, window_params = [{transform_indices = #map}, {transform_indices = #map}, {transform_indices = #map}, {transform_indices = #map1}, {transform_indices = #map1}, {transform_indices = #map1}, {transform_indices = #map2}]} {
    %mul3A = arith.constant 2 : i32
    %mul3A_0 = arith.muli %arg1, %mul3A : i32
    %add3A = arith.addi %mul3A_0, %arg0 : i32
    %mul3A_1 = arith.constant 512 : i32
    %mul3A_2 = arith.muli %add3A, %mul3A_1 : i32
    "tpu.region"() ({
      %run_scoped3A_199 = tpu.sem_alloc : memref<!tpu.dma_semaphore, #tpu.memory_space<semaphore_mem>>
      %dma_start3A_200 = tpu.memref_slice %arg2[%mul3A_2] : memref<16384xi32, #tpu.memory_space<hbm>> -> memref<512xi32, #tpu.memory_space<hbm>>
      %dma_start3A_201 = tpu.memref_slice %arg2[%mul3A_2] : memref<16384xi32, #tpu.memory_space<hbm>> -> memref<512xi32, #tpu.memory_space<hbm>>
      tpu.enqueue_dma source(%dma_start3A_201 : memref<512xi32, #tpu.memory_space<hbm>>) target(%arg9 : memref<512xi32, #tpu.memory_space<vmem>>) target_semaphore(%run_scoped3A_199 : memref<!tpu.dma_semaphore, #tpu.memory_space<semaphore_mem>>)
      %dma_wait3A_202 = tpu.memref_slice %arg2[%mul3A_2] : memref<16384xi32, #tpu.memory_space<hbm>> -> memref<512xi32, #tpu.memory_space<hbm>>
      %dma_wait3A_203 = tpu.memref_slice %arg2[%mul3A_2] : memref<16384xi32, #tpu.memory_space<hbm>> -> memref<512xi32, #tpu.memory_space<hbm>>
      tpu.wait_dma2 semaphore(%run_scoped3A_199 : memref<!tpu.dma_semaphore, #tpu.memory_space<semaphore_mem>>) src(%dma_wait3A_203 : memref<512xi32, #tpu.memory_space<hbm>>) dst(%arg9 : memref<512xi32, #tpu.memory_space<vmem>>)
      tpu.yield
    }) : () -> ()
    %dma_start3A = arith.constant 0 : i32
    %dma_start3A_3 = arith.constant 0 : i32
    %dma_start3A_4 = tpu.memref_slice %arg10[%dma_start3A, %dma_start3A_3] : memref<512x128xf32, #tpu.memory_space<vmem>> -> memref<128x128xf32, #tpu.memory_space<vmem>>
    %dma_start3A_5 = arith.constant 0 : i32
    %dma_start3A_6 = tpu.memref_slice %arg9[%dma_start3A_5] : memref<512xi32, #tpu.memory_space<vmem>> -> memref<128xi32, #tpu.memory_space<vmem>>
    %dma_start3A_7 = arith.constant 0 : i32
    %dma_start3A_8 = arith.constant 0 : i32
    %dma_start3A_9 = tpu.memref_slice %arg5[%dma_start3A_7, %dma_start3A_8] : memref<100000x128xf32, #tpu.memory_space<hbm>> -> memref<100000x128xf32, #tpu.memory_space<hbm>>
    tpu.enqueue_indirect_dma source(%dma_start3A_9 : memref<100000x128xf32, #tpu.memory_space<hbm>>) target(%dma_start3A_4 : memref<128x128xf32, #tpu.memory_space<vmem>>) offsets(%dma_start3A_6 : memref<128xi32, #tpu.memory_space<vmem>>) semaphore(%arg11 : memref<!tpu.dma_semaphore, #tpu.memory_space<semaphore_mem>>)
    %dma_start3A_10 = arith.constant 128 : i32
    %dma_start3A_11 = arith.constant 0 : i32
    %dma_start3A_12 = tpu.memref_slice %arg10[%dma_start3A_10, %dma_start3A_11] : memref<512x128xf32, #tpu.memory_space<vmem>> -> memref<128x128xf32, #tpu.memory_space<vmem>>
    %dma_start3A_13 = arith.constant 128 : i32
    %dma_start3A_14 = tpu.memref_slice %arg9[%dma_start3A_13] : memref<512xi32, #tpu.memory_space<vmem>> -> memref<128xi32, #tpu.memory_space<vmem>>
    %dma_start3A_15 = arith.constant 0 : i32
    %dma_start3A_16 = arith.constant 0 : i32
    %dma_start3A_17 = tpu.memref_slice %arg5[%dma_start3A_15, %dma_start3A_16] : memref<100000x128xf32, #tpu.memory_space<hbm>> -> memref<100000x128xf32, #tpu.memory_space<hbm>>
    tpu.enqueue_indirect_dma source(%dma_start3A_17 : memref<100000x128xf32, #tpu.memory_space<hbm>>) target(%dma_start3A_12 : memref<128x128xf32, #tpu.memory_space<vmem>>) offsets(%dma_start3A_14 : memref<128xi32, #tpu.memory_space<vmem>>) semaphore(%arg11 : memref<!tpu.dma_semaphore, #tpu.memory_space<semaphore_mem>>)
    %dma_start3A_18 = arith.constant 256 : i32
    %dma_start3A_19 = arith.constant 0 : i32
    %dma_start3A_20 = tpu.memref_slice %arg10[%dma_start3A_18, %dma_start3A_19] : memref<512x128xf32, #tpu.memory_space<vmem>> -> memref<128x128xf32, #tpu.memory_space<vmem>>
    %dma_start3A_21 = arith.constant 256 : i32
    %dma_start3A_22 = tpu.memref_slice %arg9[%dma_start3A_21] : memref<512xi32, #tpu.memory_space<vmem>> -> memref<128xi32, #tpu.memory_space<vmem>>
    %dma_start3A_23 = arith.constant 0 : i32
    %dma_start3A_24 = arith.constant 0 : i32
    %dma_start3A_25 = tpu.memref_slice %arg5[%dma_start3A_23, %dma_start3A_24] : memref<100000x128xf32, #tpu.memory_space<hbm>> -> memref<100000x128xf32, #tpu.memory_space<hbm>>
    tpu.enqueue_indirect_dma source(%dma_start3A_25 : memref<100000x128xf32, #tpu.memory_space<hbm>>) target(%dma_start3A_20 : memref<128x128xf32, #tpu.memory_space<vmem>>) offsets(%dma_start3A_22 : memref<128xi32, #tpu.memory_space<vmem>>) semaphore(%arg11 : memref<!tpu.dma_semaphore, #tpu.memory_space<semaphore_mem>>)
    %dma_start3A_26 = arith.constant 384 : i32
    %dma_start3A_27 = arith.constant 0 : i32
    %dma_start3A_28 = tpu.memref_slice %arg10[%dma_start3A_26, %dma_start3A_27] : memref<512x128xf32, #tpu.memory_space<vmem>> -> memref<128x128xf32, #tpu.memory_space<vmem>>
    %dma_start3A_29 = arith.constant 384 : i32
    %dma_start3A_30 = tpu.memref_slice %arg9[%dma_start3A_29] : memref<512xi32, #tpu.memory_space<vmem>> -> memref<128xi32, #tpu.memory_space<vmem>>
    %dma_start3A_31 = arith.constant 0 : i32
    %dma_start3A_32 = arith.constant 0 : i32
    %dma_start3A_33 = tpu.memref_slice %arg5[%dma_start3A_31, %dma_start3A_32] : memref<100000x128xf32, #tpu.memory_space<hbm>> -> memref<100000x128xf32, #tpu.memory_space<hbm>>
    tpu.enqueue_indirect_dma source(%dma_start3A_33 : memref<100000x128xf32, #tpu.memory_space<hbm>>) target(%dma_start3A_28 : memref<128x128xf32, #tpu.memory_space<vmem>>) offsets(%dma_start3A_30 : memref<128xi32, #tpu.memory_space<vmem>>) semaphore(%arg11 : memref<!tpu.dma_semaphore, #tpu.memory_space<semaphore_mem>>)
    %dma_wait3A = arith.constant 0 : i32
    %dma_wait3A_34 = arith.constant 0 : i32
    %dma_wait3A_35 = tpu.memref_slice %arg10[%dma_wait3A, %dma_wait3A_34] : memref<512x128xf32, #tpu.memory_space<vmem>> -> memref<128x128xf32, #tpu.memory_space<vmem>>
    %dma_wait3A_36 = arith.constant 0 : i32
    %dma_wait3A_37 = tpu.memref_slice %arg9[%dma_wait3A_36] : memref<512xi32, #tpu.memory_space<vmem>> -> memref<128xi32, #tpu.memory_space<vmem>>
    %dma_wait3A_38 = arith.constant 0 : i32
    %dma_wait3A_39 = arith.constant 0 : i32
    %dma_wait3A_40 = tpu.memref_slice %arg5[%dma_wait3A_38, %dma_wait3A_39] : memref<100000x128xf32, #tpu.memory_space<hbm>> -> memref<100000x128xf32, #tpu.memory_space<hbm>>
    tpu.wait_indirect_dma semaphore(%arg11 : memref<!tpu.dma_semaphore, #tpu.memory_space<semaphore_mem>>) src(%dma_wait3A_40 : memref<100000x128xf32, #tpu.memory_space<hbm>>) dst(%dma_wait3A_35 : memref<128x128xf32, #tpu.memory_space<vmem>>)
    %dma_wait3A_41 = arith.constant 128 : i32
    %dma_wait3A_42 = arith.constant 0 : i32
    %dma_wait3A_43 = tpu.memref_slice %arg10[%dma_wait3A_41, %dma_wait3A_42] : memref<512x128xf32, #tpu.memory_space<vmem>> -> memref<128x128xf32, #tpu.memory_space<vmem>>
    %dma_wait3A_44 = arith.constant 128 : i32
    %dma_wait3A_45 = tpu.memref_slice %arg9[%dma_wait3A_44] : memref<512xi32, #tpu.memory_space<vmem>> -> memref<128xi32, #tpu.memory_space<vmem>>
    %dma_wait3A_46 = arith.constant 0 : i32
    %dma_wait3A_47 = arith.constant 0 : i32
    %dma_wait3A_48 = tpu.memref_slice %arg5[%dma_wait3A_46, %dma_wait3A_47] : memref<100000x128xf32, #tpu.memory_space<hbm>> -> memref<100000x128xf32, #tpu.memory_space<hbm>>
    tpu.wait_indirect_dma semaphore(%arg11 : memref<!tpu.dma_semaphore, #tpu.memory_space<semaphore_mem>>) src(%dma_wait3A_48 : memref<100000x128xf32, #tpu.memory_space<hbm>>) dst(%dma_wait3A_43 : memref<128x128xf32, #tpu.memory_space<vmem>>)
    %dma_wait3A_49 = arith.constant 256 : i32
    %dma_wait3A_50 = arith.constant 0 : i32
    %dma_wait3A_51 = tpu.memref_slice %arg10[%dma_wait3A_49, %dma_wait3A_50] : memref<512x128xf32, #tpu.memory_space<vmem>> -> memref<128x128xf32, #tpu.memory_space<vmem>>
    %dma_wait3A_52 = arith.constant 256 : i32
    %dma_wait3A_53 = tpu.memref_slice %arg9[%dma_wait3A_52] : memref<512xi32, #tpu.memory_space<vmem>> -> memref<128xi32, #tpu.memory_space<vmem>>
    %dma_wait3A_54 = arith.constant 0 : i32
    %dma_wait3A_55 = arith.constant 0 : i32
    %dma_wait3A_56 = tpu.memref_slice %arg5[%dma_wait3A_54, %dma_wait3A_55] : memref<100000x128xf32, #tpu.memory_space<hbm>> -> memref<100000x128xf32, #tpu.memory_space<hbm>>
    tpu.wait_indirect_dma semaphore(%arg11 : memref<!tpu.dma_semaphore, #tpu.memory_space<semaphore_mem>>) src(%dma_wait3A_56 : memref<100000x128xf32, #tpu.memory_space<hbm>>) dst(%dma_wait3A_51 : memref<128x128xf32, #tpu.memory_space<vmem>>)
    %dma_wait3A_57 = arith.constant 384 : i32
    %dma_wait3A_58 = arith.constant 0 : i32
    %dma_wait3A_59 = tpu.memref_slice %arg10[%dma_wait3A_57, %dma_wait3A_58] : memref<512x128xf32, #tpu.memory_space<vmem>> -> memref<128x128xf32, #tpu.memory_space<vmem>>
    %dma_wait3A_60 = arith.constant 384 : i32
    %dma_wait3A_61 = tpu.memref_slice %arg9[%dma_wait3A_60] : memref<512xi32, #tpu.memory_space<vmem>> -> memref<128xi32, #tpu.memory_space<vmem>>
    %dma_wait3A_62 = arith.constant 0 : i32
    %dma_wait3A_63 = arith.constant 0 : i32
    %dma_wait3A_64 = tpu.memref_slice %arg5[%dma_wait3A_62, %dma_wait3A_63] : memref<100000x128xf32, #tpu.memory_space<hbm>> -> memref<100000x128xf32, #tpu.memory_space<hbm>>
    tpu.wait_indirect_dma semaphore(%arg11 : memref<!tpu.dma_semaphore, #tpu.memory_space<semaphore_mem>>) src(%dma_wait3A_64 : memref<100000x128xf32, #tpu.memory_space<hbm>>) dst(%dma_wait3A_59 : memref<128x128xf32, #tpu.memory_space<vmem>>)
    %run_scoped3A = arith.constant 0 : i32
    "tpu.region"() ({
      %run_scoped3A_199 = tpu.sem_alloc : memref<!tpu.dma_semaphore, #tpu.memory_space<semaphore_mem>>
      %dma_start3A_200 = arith.constant 0 : i32
      %dma_start3A_201 = tpu.memref_slice %arg8[%run_scoped3A, %mul3A_2, %dma_start3A_200] : memref<7x16384x128xf32, #tpu.memory_space<hbm>> -> memref<1x512x128xf32, #tpu.memory_space<hbm>>
      %dma_start3A_202 = tpu.memref_squeeze %dma_start3A_201 : memref<1x512x128xf32, #tpu.memory_space<hbm>> -> memref<512x128xf32, #tpu.memory_space<hbm>>
      %dma_start3A_203 = arith.constant 0 : i32
      %dma_start3A_204 = tpu.memref_slice %arg8[%run_scoped3A, %mul3A_2, %dma_start3A_203] : memref<7x16384x128xf32, #tpu.memory_space<hbm>> -> memref<1x512x128xf32, #tpu.memory_space<hbm>>
      %dma_start3A_205 = tpu.memref_squeeze %dma_start3A_204 : memref<1x512x128xf32, #tpu.memory_space<hbm>> -> memref<512x128xf32, #tpu.memory_space<hbm>>
      tpu.enqueue_dma source(%arg10 : memref<512x128xf32, #tpu.memory_space<vmem>>) target(%dma_start3A_205 : memref<512x128xf32, #tpu.memory_space<hbm>>) target_semaphore(%run_scoped3A_199 : memref<!tpu.dma_semaphore, #tpu.memory_space<semaphore_mem>>)
      %dma_wait3A_206 = arith.constant 0 : i32
      %dma_wait3A_207 = tpu.memref_slice %arg8[%run_scoped3A, %mul3A_2, %dma_wait3A_206] : memref<7x16384x128xf32, #tpu.memory_space<hbm>> -> memref<1x512x128xf32, #tpu.memory_space<hbm>>
      %dma_wait3A_208 = tpu.memref_squeeze %dma_wait3A_207 : memref<1x512x128xf32, #tpu.memory_space<hbm>> -> memref<512x128xf32, #tpu.memory_space<hbm>>
      %dma_wait3A_209 = arith.constant 0 : i32
      %dma_wait3A_210 = tpu.memref_slice %arg8[%run_scoped3A, %mul3A_2, %dma_wait3A_209] : memref<7x16384x128xf32, #tpu.memory_space<hbm>> -> memref<1x512x128xf32, #tpu.memory_space<hbm>>
      %dma_wait3A_211 = tpu.memref_squeeze %dma_wait3A_210 : memref<1x512x128xf32, #tpu.memory_space<hbm>> -> memref<512x128xf32, #tpu.memory_space<hbm>>
      tpu.wait_dma2 semaphore(%run_scoped3A_199 : memref<!tpu.dma_semaphore, #tpu.memory_space<semaphore_mem>>) src(%arg10 : memref<512x128xf32, #tpu.memory_space<vmem>>) dst(%dma_wait3A_211 : memref<512x128xf32, #tpu.memory_space<hbm>>)
      tpu.yield
    }) : () -> ()
    %run_scoped3A_65 = arith.constant 1 : i32
    "tpu.region"() ({
      %run_scoped3A_199 = tpu.sem_alloc : memref<!tpu.dma_semaphore, #tpu.memory_space<semaphore_mem>>
      %dma_start3A_200 = arith.constant 0 : i32
      %dma_start3A_201 = tpu.memref_slice %arg8[%run_scoped3A_65, %mul3A_2, %dma_start3A_200] : memref<7x16384x128xf32, #tpu.memory_space<hbm>> -> memref<1x512x128xf32, #tpu.memory_space<hbm>>
      %dma_start3A_202 = tpu.memref_squeeze %dma_start3A_201 : memref<1x512x128xf32, #tpu.memory_space<hbm>> -> memref<512x128xf32, #tpu.memory_space<hbm>>
      %dma_start3A_203 = arith.constant 0 : i32
      %dma_start3A_204 = tpu.memref_slice %arg8[%run_scoped3A_65, %mul3A_2, %dma_start3A_203] : memref<7x16384x128xf32, #tpu.memory_space<hbm>> -> memref<1x512x128xf32, #tpu.memory_space<hbm>>
      %dma_start3A_205 = tpu.memref_squeeze %dma_start3A_204 : memref<1x512x128xf32, #tpu.memory_space<hbm>> -> memref<512x128xf32, #tpu.memory_space<hbm>>
      tpu.enqueue_dma source(%arg10 : memref<512x128xf32, #tpu.memory_space<vmem>>) target(%dma_start3A_205 : memref<512x128xf32, #tpu.memory_space<hbm>>) target_semaphore(%run_scoped3A_199 : memref<!tpu.dma_semaphore, #tpu.memory_space<semaphore_mem>>)
      %dma_wait3A_206 = arith.constant 0 : i32
      %dma_wait3A_207 = tpu.memref_slice %arg8[%run_scoped3A_65, %mul3A_2, %dma_wait3A_206] : memref<7x16384x128xf32, #tpu.memory_space<hbm>> -> memref<1x512x128xf32, #tpu.memory_space<hbm>>
      %dma_wait3A_208 = tpu.memref_squeeze %dma_wait3A_207 : memref<1x512x128xf32, #tpu.memory_space<hbm>> -> memref<512x128xf32, #tpu.memory_space<hbm>>
      %dma_wait3A_209 = arith.constant 0 : i32
      %dma_wait3A_210 = tpu.memref_slice %arg8[%run_scoped3A_65, %mul3A_2, %dma_wait3A_209] : memref<7x16384x128xf32, #tpu.memory_space<hbm>> -> memref<1x512x128xf32, #tpu.memory_space<hbm>>
      %dma_wait3A_211 = tpu.memref_squeeze %dma_wait3A_210 : memref<1x512x128xf32, #tpu.memory_space<hbm>> -> memref<512x128xf32, #tpu.memory_space<hbm>>
      tpu.wait_dma2 semaphore(%run_scoped3A_199 : memref<!tpu.dma_semaphore, #tpu.memory_space<semaphore_mem>>) src(%arg10 : memref<512x128xf32, #tpu.memory_space<vmem>>) dst(%dma_wait3A_211 : memref<512x128xf32, #tpu.memory_space<hbm>>)
      tpu.yield
    }) : () -> ()
    %run_scoped3A_66 = arith.constant 2 : i32
    "tpu.region"() ({
      %run_scoped3A_199 = tpu.sem_alloc : memref<!tpu.dma_semaphore, #tpu.memory_space<semaphore_mem>>
      %dma_start3A_200 = arith.constant 0 : i32
      %dma_start3A_201 = tpu.memref_slice %arg8[%run_scoped3A_66, %mul3A_2, %dma_start3A_200] : memref<7x16384x128xf32, #tpu.memory_space<hbm>> -> memref<1x512x128xf32, #tpu.memory_space<hbm>>
      %dma_start3A_202 = tpu.memref_squeeze %dma_start3A_201 : memref<1x512x128xf32, #tpu.memory_space<hbm>> -> memref<512x128xf32, #tpu.memory_space<hbm>>
      %dma_start3A_203 = arith.constant 0 : i32
      %dma_start3A_204 = tpu.memref_slice %arg8[%run_scoped3A_66, %mul3A_2, %dma_start3A_203] : memref<7x16384x128xf32, #tpu.memory_space<hbm>> -> memref<1x512x128xf32, #tpu.memory_space<hbm>>
      %dma_start3A_205 = tpu.memref_squeeze %dma_start3A_204 : memref<1x512x128xf32, #tpu.memory_space<hbm>> -> memref<512x128xf32, #tpu.memory_space<hbm>>
      tpu.enqueue_dma source(%arg10 : memref<512x128xf32, #tpu.memory_space<vmem>>) target(%dma_start3A_205 : memref<512x128xf32, #tpu.memory_space<hbm>>) target_semaphore(%run_scoped3A_199 : memref<!tpu.dma_semaphore, #tpu.memory_space<semaphore_mem>>)
      %dma_wait3A_206 = arith.constant 0 : i32
      %dma_wait3A_207 = tpu.memref_slice %arg8[%run_scoped3A_66, %mul3A_2, %dma_wait3A_206] : memref<7x16384x128xf32, #tpu.memory_space<hbm>> -> memref<1x512x128xf32, #tpu.memory_space<hbm>>
      %dma_wait3A_208 = tpu.memref_squeeze %dma_wait3A_207 : memref<1x512x128xf32, #tpu.memory_space<hbm>> -> memref<512x128xf32, #tpu.memory_space<hbm>>
      %dma_wait3A_209 = arith.constant 0 : i32
      %dma_wait3A_210 = tpu.memref_slice %arg8[%run_scoped3A_66, %mul3A_2, %dma_wait3A_209] : memref<7x16384x128xf32, #tpu.memory_space<hbm>> -> memref<1x512x128xf32, #tpu.memory_space<hbm>>
      %dma_wait3A_211 = tpu.memref_squeeze %dma_wait3A_210 : memref<1x512x128xf32, #tpu.memory_space<hbm>> -> memref<512x128xf32, #tpu.memory_space<hbm>>
      tpu.wait_dma2 semaphore(%run_scoped3A_199 : memref<!tpu.dma_semaphore, #tpu.memory_space<semaphore_mem>>) src(%arg10 : memref<512x128xf32, #tpu.memory_space<vmem>>) dst(%dma_wait3A_211 : memref<512x128xf32, #tpu.memory_space<hbm>>)
      tpu.yield
    }) : () -> ()
    "tpu.region"() ({
      %run_scoped3A_199 = tpu.sem_alloc : memref<!tpu.dma_semaphore, #tpu.memory_space<semaphore_mem>>
      %dma_start3A_200 = tpu.memref_slice %arg3[%mul3A_2] : memref<16384xi32, #tpu.memory_space<hbm>> -> memref<512xi32, #tpu.memory_space<hbm>>
      %dma_start3A_201 = tpu.memref_slice %arg3[%mul3A_2] : memref<16384xi32, #tpu.memory_space<hbm>> -> memref<512xi32, #tpu.memory_space<hbm>>
      tpu.enqueue_dma source(%dma_start3A_201 : memref<512xi32, #tpu.memory_space<hbm>>) target(%arg9 : memref<512xi32, #tpu.memory_space<vmem>>) target_semaphore(%run_scoped3A_199 : memref<!tpu.dma_semaphore, #tpu.memory_space<semaphore_mem>>)
      %dma_wait3A_202 = tpu.memref_slice %arg3[%mul3A_2] : memref<16384xi32, #tpu.memory_space<hbm>> -> memref<512xi32, #tpu.memory_space<hbm>>
      %dma_wait3A_203 = tpu.memref_slice %arg3[%mul3A_2] : memref<16384xi32, #tpu.memory_space<hbm>> -> memref<512xi32, #tpu.memory_space<hbm>>
      tpu.wait_dma2 semaphore(%run_scoped3A_199 : memref<!tpu.dma_semaphore, #tpu.memory_space<semaphore_mem>>) src(%dma_wait3A_203 : memref<512xi32, #tpu.memory_space<hbm>>) dst(%arg9 : memref<512xi32, #tpu.memory_space<vmem>>)
      tpu.yield
    }) : () -> ()
    %dma_start3A_67 = arith.constant 0 : i32
    %dma_start3A_68 = arith.constant 0 : i32
    %dma_start3A_69 = tpu.memref_slice %arg10[%dma_start3A_67, %dma_start3A_68] : memref<512x128xf32, #tpu.memory_space<vmem>> -> memref<128x128xf32, #tpu.memory_space<vmem>>
    %dma_start3A_70 = arith.constant 0 : i32
    %dma_start3A_71 = tpu.memref_slice %arg9[%dma_start3A_70] : memref<512xi32, #tpu.memory_space<vmem>> -> memref<128xi32, #tpu.memory_space<vmem>>
    %dma_start3A_72 = arith.constant 0 : i32
    %dma_start3A_73 = arith.constant 0 : i32
    %dma_start3A_74 = tpu.memref_slice %arg6[%dma_start3A_72, %dma_start3A_73] : memref<100000x128xf32, #tpu.memory_space<hbm>> -> memref<100000x128xf32, #tpu.memory_space<hbm>>
    tpu.enqueue_indirect_dma source(%dma_start3A_74 : memref<100000x128xf32, #tpu.memory_space<hbm>>) target(%dma_start3A_69 : memref<128x128xf32, #tpu.memory_space<vmem>>) offsets(%dma_start3A_71 : memref<128xi32, #tpu.memory_space<vmem>>) semaphore(%arg11 : memref<!tpu.dma_semaphore, #tpu.memory_space<semaphore_mem>>)
    %dma_start3A_75 = arith.constant 128 : i32
    %dma_start3A_76 = arith.constant 0 : i32
    %dma_start3A_77 = tpu.memref_slice %arg10[%dma_start3A_75, %dma_start3A_76] : memref<512x128xf32, #tpu.memory_space<vmem>> -> memref<128x128xf32, #tpu.memory_space<vmem>>
    %dma_start3A_78 = arith.constant 128 : i32
    %dma_start3A_79 = tpu.memref_slice %arg9[%dma_start3A_78] : memref<512xi32, #tpu.memory_space<vmem>> -> memref<128xi32, #tpu.memory_space<vmem>>
    %dma_start3A_80 = arith.constant 0 : i32
    %dma_start3A_81 = arith.constant 0 : i32
    %dma_start3A_82 = tpu.memref_slice %arg6[%dma_start3A_80, %dma_start3A_81] : memref<100000x128xf32, #tpu.memory_space<hbm>> -> memref<100000x128xf32, #tpu.memory_space<hbm>>
    tpu.enqueue_indirect_dma source(%dma_start3A_82 : memref<100000x128xf32, #tpu.memory_space<hbm>>) target(%dma_start3A_77 : memref<128x128xf32, #tpu.memory_space<vmem>>) offsets(%dma_start3A_79 : memref<128xi32, #tpu.memory_space<vmem>>) semaphore(%arg11 : memref<!tpu.dma_semaphore, #tpu.memory_space<semaphore_mem>>)
    %dma_start3A_83 = arith.constant 256 : i32
    %dma_start3A_84 = arith.constant 0 : i32
    %dma_start3A_85 = tpu.memref_slice %arg10[%dma_start3A_83, %dma_start3A_84] : memref<512x128xf32, #tpu.memory_space<vmem>> -> memref<128x128xf32, #tpu.memory_space<vmem>>
    %dma_start3A_86 = arith.constant 256 : i32
    %dma_start3A_87 = tpu.memref_slice %arg9[%dma_start3A_86] : memref<512xi32, #tpu.memory_space<vmem>> -> memref<128xi32, #tpu.memory_space<vmem>>
    %dma_start3A_88 = arith.constant 0 : i32
    %dma_start3A_89 = arith.constant 0 : i32
    %dma_start3A_90 = tpu.memref_slice %arg6[%dma_start3A_88, %dma_start3A_89] : memref<100000x128xf32, #tpu.memory_space<hbm>> -> memref<100000x128xf32, #tpu.memory_space<hbm>>
    tpu.enqueue_indirect_dma source(%dma_start3A_90 : memref<100000x128xf32, #tpu.memory_space<hbm>>) target(%dma_start3A_85 : memref<128x128xf32, #tpu.memory_space<vmem>>) offsets(%dma_start3A_87 : memref<128xi32, #tpu.memory_space<vmem>>) semaphore(%arg11 : memref<!tpu.dma_semaphore, #tpu.memory_space<semaphore_mem>>)
    %dma_start3A_91 = arith.constant 384 : i32
    %dma_start3A_92 = arith.constant 0 : i32
    %dma_start3A_93 = tpu.memref_slice %arg10[%dma_start3A_91, %dma_start3A_92] : memref<512x128xf32, #tpu.memory_space<vmem>> -> memref<128x128xf32, #tpu.memory_space<vmem>>
    %dma_start3A_94 = arith.constant 384 : i32
    %dma_start3A_95 = tpu.memref_slice %arg9[%dma_start3A_94] : memref<512xi32, #tpu.memory_space<vmem>> -> memref<128xi32, #tpu.memory_space<vmem>>
    %dma_start3A_96 = arith.constant 0 : i32
    %dma_start3A_97 = arith.constant 0 : i32
    %dma_start3A_98 = tpu.memref_slice %arg6[%dma_start3A_96, %dma_start3A_97] : memref<100000x128xf32, #tpu.memory_space<hbm>> -> memref<100000x128xf32, #tpu.memory_space<hbm>>
    tpu.enqueue_indirect_dma source(%dma_start3A_98 : memref<100000x128xf32, #tpu.memory_space<hbm>>) target(%dma_start3A_93 : memref<128x128xf32, #tpu.memory_space<vmem>>) offsets(%dma_start3A_95 : memref<128xi32, #tpu.memory_space<vmem>>) semaphore(%arg11 : memref<!tpu.dma_semaphore, #tpu.memory_space<semaphore_mem>>)
    %dma_wait3A_99 = arith.constant 0 : i32
    %dma_wait3A_100 = arith.constant 0 : i32
    %dma_wait3A_101 = tpu.memref_slice %arg10[%dma_wait3A_99, %dma_wait3A_100] : memref<512x128xf32, #tpu.memory_space<vmem>> -> memref<128x128xf32, #tpu.memory_space<vmem>>
    %dma_wait3A_102 = arith.constant 0 : i32
    %dma_wait3A_103 = tpu.memref_slice %arg9[%dma_wait3A_102] : memref<512xi32, #tpu.memory_space<vmem>> -> memref<128xi32, #tpu.memory_space<vmem>>
    %dma_wait3A_104 = arith.constant 0 : i32
    %dma_wait3A_105 = arith.constant 0 : i32
    %dma_wait3A_106 = tpu.memref_slice %arg6[%dma_wait3A_104, %dma_wait3A_105] : memref<100000x128xf32, #tpu.memory_space<hbm>> -> memref<100000x128xf32, #tpu.memory_space<hbm>>
    tpu.wait_indirect_dma semaphore(%arg11 : memref<!tpu.dma_semaphore, #tpu.memory_space<semaphore_mem>>) src(%dma_wait3A_106 : memref<100000x128xf32, #tpu.memory_space<hbm>>) dst(%dma_wait3A_101 : memref<128x128xf32, #tpu.memory_space<vmem>>)
    %dma_wait3A_107 = arith.constant 128 : i32
    %dma_wait3A_108 = arith.constant 0 : i32
    %dma_wait3A_109 = tpu.memref_slice %arg10[%dma_wait3A_107, %dma_wait3A_108] : memref<512x128xf32, #tpu.memory_space<vmem>> -> memref<128x128xf32, #tpu.memory_space<vmem>>
    %dma_wait3A_110 = arith.constant 128 : i32
    %dma_wait3A_111 = tpu.memref_slice %arg9[%dma_wait3A_110] : memref<512xi32, #tpu.memory_space<vmem>> -> memref<128xi32, #tpu.memory_space<vmem>>
    %dma_wait3A_112 = arith.constant 0 : i32
    %dma_wait3A_113 = arith.constant 0 : i32
    %dma_wait3A_114 = tpu.memref_slice %arg6[%dma_wait3A_112, %dma_wait3A_113] : memref<100000x128xf32, #tpu.memory_space<hbm>> -> memref<100000x128xf32, #tpu.memory_space<hbm>>
    tpu.wait_indirect_dma semaphore(%arg11 : memref<!tpu.dma_semaphore, #tpu.memory_space<semaphore_mem>>) src(%dma_wait3A_114 : memref<100000x128xf32, #tpu.memory_space<hbm>>) dst(%dma_wait3A_109 : memref<128x128xf32, #tpu.memory_space<vmem>>)
    %dma_wait3A_115 = arith.constant 256 : i32
    %dma_wait3A_116 = arith.constant 0 : i32
    %dma_wait3A_117 = tpu.memref_slice %arg10[%dma_wait3A_115, %dma_wait3A_116] : memref<512x128xf32, #tpu.memory_space<vmem>> -> memref<128x128xf32, #tpu.memory_space<vmem>>
    %dma_wait3A_118 = arith.constant 256 : i32
    %dma_wait3A_119 = tpu.memref_slice %arg9[%dma_wait3A_118] : memref<512xi32, #tpu.memory_space<vmem>> -> memref<128xi32, #tpu.memory_space<vmem>>
    %dma_wait3A_120 = arith.constant 0 : i32
    %dma_wait3A_121 = arith.constant 0 : i32
    %dma_wait3A_122 = tpu.memref_slice %arg6[%dma_wait3A_120, %dma_wait3A_121] : memref<100000x128xf32, #tpu.memory_space<hbm>> -> memref<100000x128xf32, #tpu.memory_space<hbm>>
    tpu.wait_indirect_dma semaphore(%arg11 : memref<!tpu.dma_semaphore, #tpu.memory_space<semaphore_mem>>) src(%dma_wait3A_122 : memref<100000x128xf32, #tpu.memory_space<hbm>>) dst(%dma_wait3A_117 : memref<128x128xf32, #tpu.memory_space<vmem>>)
    %dma_wait3A_123 = arith.constant 384 : i32
    %dma_wait3A_124 = arith.constant 0 : i32
    %dma_wait3A_125 = tpu.memref_slice %arg10[%dma_wait3A_123, %dma_wait3A_124] : memref<512x128xf32, #tpu.memory_space<vmem>> -> memref<128x128xf32, #tpu.memory_space<vmem>>
    %dma_wait3A_126 = arith.constant 384 : i32
    %dma_wait3A_127 = tpu.memref_slice %arg9[%dma_wait3A_126] : memref<512xi32, #tpu.memory_space<vmem>> -> memref<128xi32, #tpu.memory_space<vmem>>
    %dma_wait3A_128 = arith.constant 0 : i32
    %dma_wait3A_129 = arith.constant 0 : i32
    %dma_wait3A_130 = tpu.memref_slice %arg6[%dma_wait3A_128, %dma_wait3A_129] : memref<100000x128xf32, #tpu.memory_space<hbm>> -> memref<100000x128xf32, #tpu.memory_space<hbm>>
    tpu.wait_indirect_dma semaphore(%arg11 : memref<!tpu.dma_semaphore, #tpu.memory_space<semaphore_mem>>) src(%dma_wait3A_130 : memref<100000x128xf32, #tpu.memory_space<hbm>>) dst(%dma_wait3A_125 : memref<128x128xf32, #tpu.memory_space<vmem>>)
    %run_scoped3A_131 = arith.constant 3 : i32
    "tpu.region"() ({
      %run_scoped3A_199 = tpu.sem_alloc : memref<!tpu.dma_semaphore, #tpu.memory_space<semaphore_mem>>
      %dma_start3A_200 = arith.constant 0 : i32
      %dma_start3A_201 = tpu.memref_slice %arg8[%run_scoped3A_131, %mul3A_2, %dma_start3A_200] : memref<7x16384x128xf32, #tpu.memory_space<hbm>> -> memref<1x512x128xf32, #tpu.memory_space<hbm>>
      %dma_start3A_202 = tpu.memref_squeeze %dma_start3A_201 : memref<1x512x128xf32, #tpu.memory_space<hbm>> -> memref<512x128xf32, #tpu.memory_space<hbm>>
      %dma_start3A_203 = arith.constant 0 : i32
      %dma_start3A_204 = tpu.memref_slice %arg8[%run_scoped3A_131, %mul3A_2, %dma_start3A_203] : memref<7x16384x128xf32, #tpu.memory_space<hbm>> -> memref<1x512x128xf32, #tpu.memory_space<hbm>>
      %dma_start3A_205 = tpu.memref_squeeze %dma_start3A_204 : memref<1x512x128xf32, #tpu.memory_space<hbm>> -> memref<512x128xf32, #tpu.memory_space<hbm>>
      tpu.enqueue_dma source(%arg10 : memref<512x128xf32, #tpu.memory_space<vmem>>) target(%dma_start3A_205 : memref<512x128xf32, #tpu.memory_space<hbm>>) target_semaphore(%run_scoped3A_199 : memref<!tpu.dma_semaphore, #tpu.memory_space<semaphore_mem>>)
      %dma_wait3A_206 = arith.constant 0 : i32
      %dma_wait3A_207 = tpu.memref_slice %arg8[%run_scoped3A_131, %mul3A_2, %dma_wait3A_206] : memref<7x16384x128xf32, #tpu.memory_space<hbm>> -> memref<1x512x128xf32, #tpu.memory_space<hbm>>
      %dma_wait3A_208 = tpu.memref_squeeze %dma_wait3A_207 : memref<1x512x128xf32, #tpu.memory_space<hbm>> -> memref<512x128xf32, #tpu.memory_space<hbm>>
      %dma_wait3A_209 = arith.constant 0 : i32
      %dma_wait3A_210 = tpu.memref_slice %arg8[%run_scoped3A_131, %mul3A_2, %dma_wait3A_209] : memref<7x16384x128xf32, #tpu.memory_space<hbm>> -> memref<1x512x128xf32, #tpu.memory_space<hbm>>
      %dma_wait3A_211 = tpu.memref_squeeze %dma_wait3A_210 : memref<1x512x128xf32, #tpu.memory_space<hbm>> -> memref<512x128xf32, #tpu.memory_space<hbm>>
      tpu.wait_dma2 semaphore(%run_scoped3A_199 : memref<!tpu.dma_semaphore, #tpu.memory_space<semaphore_mem>>) src(%arg10 : memref<512x128xf32, #tpu.memory_space<vmem>>) dst(%dma_wait3A_211 : memref<512x128xf32, #tpu.memory_space<hbm>>)
      tpu.yield
    }) : () -> ()
    %run_scoped3A_132 = arith.constant 4 : i32
    "tpu.region"() ({
      %run_scoped3A_199 = tpu.sem_alloc : memref<!tpu.dma_semaphore, #tpu.memory_space<semaphore_mem>>
      %dma_start3A_200 = arith.constant 0 : i32
      %dma_start3A_201 = tpu.memref_slice %arg8[%run_scoped3A_132, %mul3A_2, %dma_start3A_200] : memref<7x16384x128xf32, #tpu.memory_space<hbm>> -> memref<1x512x128xf32, #tpu.memory_space<hbm>>
      %dma_start3A_202 = tpu.memref_squeeze %dma_start3A_201 : memref<1x512x128xf32, #tpu.memory_space<hbm>> -> memref<512x128xf32, #tpu.memory_space<hbm>>
      %dma_start3A_203 = arith.constant 0 : i32
      %dma_start3A_204 = tpu.memref_slice %arg8[%run_scoped3A_132, %mul3A_2, %dma_start3A_203] : memref<7x16384x128xf32, #tpu.memory_space<hbm>> -> memref<1x512x128xf32, #tpu.memory_space<hbm>>
      %dma_start3A_205 = tpu.memref_squeeze %dma_start3A_204 : memref<1x512x128xf32, #tpu.memory_space<hbm>> -> memref<512x128xf32, #tpu.memory_space<hbm>>
      tpu.enqueue_dma source(%arg10 : memref<512x128xf32, #tpu.memory_space<vmem>>) target(%dma_start3A_205 : memref<512x128xf32, #tpu.memory_space<hbm>>) target_semaphore(%run_scoped3A_199 : memref<!tpu.dma_semaphore, #tpu.memory_space<semaphore_mem>>)
      %dma_wait3A_206 = arith.constant 0 : i32
      %dma_wait3A_207 = tpu.memref_slice %arg8[%run_scoped3A_132, %mul3A_2, %dma_wait3A_206] : memref<7x16384x128xf32, #tpu.memory_space<hbm>> -> memref<1x512x128xf32, #tpu.memory_space<hbm>>
      %dma_wait3A_208 = tpu.memref_squeeze %dma_wait3A_207 : memref<1x512x128xf32, #tpu.memory_space<hbm>> -> memref<512x128xf32, #tpu.memory_space<hbm>>
      %dma_wait3A_209 = arith.constant 0 : i32
      %dma_wait3A_210 = tpu.memref_slice %arg8[%run_scoped3A_132, %mul3A_2, %dma_wait3A_209] : memref<7x16384x128xf32, #tpu.memory_space<hbm>> -> memref<1x512x128xf32, #tpu.memory_space<hbm>>
      %dma_wait3A_211 = tpu.memref_squeeze %dma_wait3A_210 : memref<1x512x128xf32, #tpu.memory_space<hbm>> -> memref<512x128xf32, #tpu.memory_space<hbm>>
      tpu.wait_dma2 semaphore(%run_scoped3A_199 : memref<!tpu.dma_semaphore, #tpu.memory_space<semaphore_mem>>) src(%arg10 : memref<512x128xf32, #tpu.memory_space<vmem>>) dst(%dma_wait3A_211 : memref<512x128xf32, #tpu.memory_space<hbm>>)
      tpu.yield
    }) : () -> ()
    "tpu.region"() ({
      %run_scoped3A_199 = tpu.sem_alloc : memref<!tpu.dma_semaphore, #tpu.memory_space<semaphore_mem>>
      %dma_start3A_200 = tpu.memref_slice %arg4[%mul3A_2] : memref<16384xi32, #tpu.memory_space<hbm>> -> memref<512xi32, #tpu.memory_space<hbm>>
      %dma_start3A_201 = tpu.memref_slice %arg4[%mul3A_2] : memref<16384xi32, #tpu.memory_space<hbm>> -> memref<512xi32, #tpu.memory_space<hbm>>
      tpu.enqueue_dma source(%dma_start3A_201 : memref<512xi32, #tpu.memory_space<hbm>>) target(%arg9 : memref<512xi32, #tpu.memory_space<vmem>>) target_semaphore(%run_scoped3A_199 : memref<!tpu.dma_semaphore, #tpu.memory_space<semaphore_mem>>)
      %dma_wait3A_202 = tpu.memref_slice %arg4[%mul3A_2] : memref<16384xi32, #tpu.memory_space<hbm>> -> memref<512xi32, #tpu.memory_space<hbm>>
      %dma_wait3A_203 = tpu.memref_slice %arg4[%mul3A_2] : memref<16384xi32, #tpu.memory_space<hbm>> -> memref<512xi32, #tpu.memory_space<hbm>>
      tpu.wait_dma2 semaphore(%run_scoped3A_199 : memref<!tpu.dma_semaphore, #tpu.memory_space<semaphore_mem>>) src(%dma_wait3A_203 : memref<512xi32, #tpu.memory_space<hbm>>) dst(%arg9 : memref<512xi32, #tpu.memory_space<vmem>>)
      tpu.yield
    }) : () -> ()
    %dma_start3A_133 = arith.constant 0 : i32
    %dma_start3A_134 = arith.constant 0 : i32
    %dma_start3A_135 = tpu.memref_slice %arg10[%dma_start3A_133, %dma_start3A_134] : memref<512x128xf32, #tpu.memory_space<vmem>> -> memref<128x128xf32, #tpu.memory_space<vmem>>
    %dma_start3A_136 = arith.constant 0 : i32
    %dma_start3A_137 = tpu.memref_slice %arg9[%dma_start3A_136] : memref<512xi32, #tpu.memory_space<vmem>> -> memref<128xi32, #tpu.memory_space<vmem>>
    %dma_start3A_138 = arith.constant 0 : i32
    %dma_start3A_139 = arith.constant 0 : i32
    %dma_start3A_140 = tpu.memref_slice %arg7[%dma_start3A_138, %dma_start3A_139] : memref<100000x128xf32, #tpu.memory_space<hbm>> -> memref<100000x128xf32, #tpu.memory_space<hbm>>
    tpu.enqueue_indirect_dma source(%dma_start3A_140 : memref<100000x128xf32, #tpu.memory_space<hbm>>) target(%dma_start3A_135 : memref<128x128xf32, #tpu.memory_space<vmem>>) offsets(%dma_start3A_137 : memref<128xi32, #tpu.memory_space<vmem>>) semaphore(%arg11 : memref<!tpu.dma_semaphore, #tpu.memory_space<semaphore_mem>>)
    %dma_start3A_141 = arith.constant 128 : i32
    %dma_start3A_142 = arith.constant 0 : i32
    %dma_start3A_143 = tpu.memref_slice %arg10[%dma_start3A_141, %dma_start3A_142] : memref<512x128xf32, #tpu.memory_space<vmem>> -> memref<128x128xf32, #tpu.memory_space<vmem>>
    %dma_start3A_144 = arith.constant 128 : i32
    %dma_start3A_145 = tpu.memref_slice %arg9[%dma_start3A_144] : memref<512xi32, #tpu.memory_space<vmem>> -> memref<128xi32, #tpu.memory_space<vmem>>
    %dma_start3A_146 = arith.constant 0 : i32
    %dma_start3A_147 = arith.constant 0 : i32
    %dma_start3A_148 = tpu.memref_slice %arg7[%dma_start3A_146, %dma_start3A_147] : memref<100000x128xf32, #tpu.memory_space<hbm>> -> memref<100000x128xf32, #tpu.memory_space<hbm>>
    tpu.enqueue_indirect_dma source(%dma_start3A_148 : memref<100000x128xf32, #tpu.memory_space<hbm>>) target(%dma_start3A_143 : memref<128x128xf32, #tpu.memory_space<vmem>>) offsets(%dma_start3A_145 : memref<128xi32, #tpu.memory_space<vmem>>) semaphore(%arg11 : memref<!tpu.dma_semaphore, #tpu.memory_space<semaphore_mem>>)
    %dma_start3A_149 = arith.constant 256 : i32
    %dma_start3A_150 = arith.constant 0 : i32
    %dma_start3A_151 = tpu.memref_slice %arg10[%dma_start3A_149, %dma_start3A_150] : memref<512x128xf32, #tpu.memory_space<vmem>> -> memref<128x128xf32, #tpu.memory_space<vmem>>
    %dma_start3A_152 = arith.constant 256 : i32
    %dma_start3A_153 = tpu.memref_slice %arg9[%dma_start3A_152] : memref<512xi32, #tpu.memory_space<vmem>> -> memref<128xi32, #tpu.memory_space<vmem>>
    %dma_start3A_154 = arith.constant 0 : i32
    %dma_start3A_155 = arith.constant 0 : i32
    %dma_start3A_156 = tpu.memref_slice %arg7[%dma_start3A_154, %dma_start3A_155] : memref<100000x128xf32, #tpu.memory_space<hbm>> -> memref<100000x128xf32, #tpu.memory_space<hbm>>
    tpu.enqueue_indirect_dma source(%dma_start3A_156 : memref<100000x128xf32, #tpu.memory_space<hbm>>) target(%dma_start3A_151 : memref<128x128xf32, #tpu.memory_space<vmem>>) offsets(%dma_start3A_153 : memref<128xi32, #tpu.memory_space<vmem>>) semaphore(%arg11 : memref<!tpu.dma_semaphore, #tpu.memory_space<semaphore_mem>>)
    %dma_start3A_157 = arith.constant 384 : i32
    %dma_start3A_158 = arith.constant 0 : i32
    %dma_start3A_159 = tpu.memref_slice %arg10[%dma_start3A_157, %dma_start3A_158] : memref<512x128xf32, #tpu.memory_space<vmem>> -> memref<128x128xf32, #tpu.memory_space<vmem>>
    %dma_start3A_160 = arith.constant 384 : i32
    %dma_start3A_161 = tpu.memref_slice %arg9[%dma_start3A_160] : memref<512xi32, #tpu.memory_space<vmem>> -> memref<128xi32, #tpu.memory_space<vmem>>
    %dma_start3A_162 = arith.constant 0 : i32
    %dma_start3A_163 = arith.constant 0 : i32
    %dma_start3A_164 = tpu.memref_slice %arg7[%dma_start3A_162, %dma_start3A_163] : memref<100000x128xf32, #tpu.memory_space<hbm>> -> memref<100000x128xf32, #tpu.memory_space<hbm>>
    tpu.enqueue_indirect_dma source(%dma_start3A_164 : memref<100000x128xf32, #tpu.memory_space<hbm>>) target(%dma_start3A_159 : memref<128x128xf32, #tpu.memory_space<vmem>>) offsets(%dma_start3A_161 : memref<128xi32, #tpu.memory_space<vmem>>) semaphore(%arg11 : memref<!tpu.dma_semaphore, #tpu.memory_space<semaphore_mem>>)
    %dma_wait3A_165 = arith.constant 0 : i32
    %dma_wait3A_166 = arith.constant 0 : i32
    %dma_wait3A_167 = tpu.memref_slice %arg10[%dma_wait3A_165, %dma_wait3A_166] : memref<512x128xf32, #tpu.memory_space<vmem>> -> memref<128x128xf32, #tpu.memory_space<vmem>>
    %dma_wait3A_168 = arith.constant 0 : i32
    %dma_wait3A_169 = tpu.memref_slice %arg9[%dma_wait3A_168] : memref<512xi32, #tpu.memory_space<vmem>> -> memref<128xi32, #tpu.memory_space<vmem>>
    %dma_wait3A_170 = arith.constant 0 : i32
    %dma_wait3A_171 = arith.constant 0 : i32
    %dma_wait3A_172 = tpu.memref_slice %arg7[%dma_wait3A_170, %dma_wait3A_171] : memref<100000x128xf32, #tpu.memory_space<hbm>> -> memref<100000x128xf32, #tpu.memory_space<hbm>>
    tpu.wait_indirect_dma semaphore(%arg11 : memref<!tpu.dma_semaphore, #tpu.memory_space<semaphore_mem>>) src(%dma_wait3A_172 : memref<100000x128xf32, #tpu.memory_space<hbm>>) dst(%dma_wait3A_167 : memref<128x128xf32, #tpu.memory_space<vmem>>)
    %dma_wait3A_173 = arith.constant 128 : i32
    %dma_wait3A_174 = arith.constant 0 : i32
    %dma_wait3A_175 = tpu.memref_slice %arg10[%dma_wait3A_173, %dma_wait3A_174] : memref<512x128xf32, #tpu.memory_space<vmem>> -> memref<128x128xf32, #tpu.memory_space<vmem>>
    %dma_wait3A_176 = arith.constant 128 : i32
    %dma_wait3A_177 = tpu.memref_slice %arg9[%dma_wait3A_176] : memref<512xi32, #tpu.memory_space<vmem>> -> memref<128xi32, #tpu.memory_space<vmem>>
    %dma_wait3A_178 = arith.constant 0 : i32
    %dma_wait3A_179 = arith.constant 0 : i32
    %dma_wait3A_180 = tpu.memref_slice %arg7[%dma_wait3A_178, %dma_wait3A_179] : memref<100000x128xf32, #tpu.memory_space<hbm>> -> memref<100000x128xf32, #tpu.memory_space<hbm>>
    tpu.wait_indirect_dma semaphore(%arg11 : memref<!tpu.dma_semaphore, #tpu.memory_space<semaphore_mem>>) src(%dma_wait3A_180 : memref<100000x128xf32, #tpu.memory_space<hbm>>) dst(%dma_wait3A_175 : memref<128x128xf32, #tpu.memory_space<vmem>>)
    %dma_wait3A_181 = arith.constant 256 : i32
    %dma_wait3A_182 = arith.constant 0 : i32
    %dma_wait3A_183 = tpu.memref_slice %arg10[%dma_wait3A_181, %dma_wait3A_182] : memref<512x128xf32, #tpu.memory_space<vmem>> -> memref<128x128xf32, #tpu.memory_space<vmem>>
    %dma_wait3A_184 = arith.constant 256 : i32
    %dma_wait3A_185 = tpu.memref_slice %arg9[%dma_wait3A_184] : memref<512xi32, #tpu.memory_space<vmem>> -> memref<128xi32, #tpu.memory_space<vmem>>
    %dma_wait3A_186 = arith.constant 0 : i32
    %dma_wait3A_187 = arith.constant 0 : i32
    %dma_wait3A_188 = tpu.memref_slice %arg7[%dma_wait3A_186, %dma_wait3A_187] : memref<100000x128xf32, #tpu.memory_space<hbm>> -> memref<100000x128xf32, #tpu.memory_space<hbm>>
    tpu.wait_indirect_dma semaphore(%arg11 : memref<!tpu.dma_semaphore, #tpu.memory_space<semaphore_mem>>) src(%dma_wait3A_188 : memref<100000x128xf32, #tpu.memory_space<hbm>>) dst(%dma_wait3A_183 : memref<128x128xf32, #tpu.memory_space<vmem>>)
    %dma_wait3A_189 = arith.constant 384 : i32
    %dma_wait3A_190 = arith.constant 0 : i32
    %dma_wait3A_191 = tpu.memref_slice %arg10[%dma_wait3A_189, %dma_wait3A_190] : memref<512x128xf32, #tpu.memory_space<vmem>> -> memref<128x128xf32, #tpu.memory_space<vmem>>
    %dma_wait3A_192 = arith.constant 384 : i32
    %dma_wait3A_193 = tpu.memref_slice %arg9[%dma_wait3A_192] : memref<512xi32, #tpu.memory_space<vmem>> -> memref<128xi32, #tpu.memory_space<vmem>>
    %dma_wait3A_194 = arith.constant 0 : i32
    %dma_wait3A_195 = arith.constant 0 : i32
    %dma_wait3A_196 = tpu.memref_slice %arg7[%dma_wait3A_194, %dma_wait3A_195] : memref<100000x128xf32, #tpu.memory_space<hbm>> -> memref<100000x128xf32, #tpu.memory_space<hbm>>
    tpu.wait_indirect_dma semaphore(%arg11 : memref<!tpu.dma_semaphore, #tpu.memory_space<semaphore_mem>>) src(%dma_wait3A_196 : memref<100000x128xf32, #tpu.memory_space<hbm>>) dst(%dma_wait3A_191 : memref<128x128xf32, #tpu.memory_space<vmem>>)
    %run_scoped3A_197 = arith.constant 5 : i32
    "tpu.region"() ({
      %run_scoped3A_199 = tpu.sem_alloc : memref<!tpu.dma_semaphore, #tpu.memory_space<semaphore_mem>>
      %dma_start3A_200 = arith.constant 0 : i32
      %dma_start3A_201 = tpu.memref_slice %arg8[%run_scoped3A_197, %mul3A_2, %dma_start3A_200] : memref<7x16384x128xf32, #tpu.memory_space<hbm>> -> memref<1x512x128xf32, #tpu.memory_space<hbm>>
      %dma_start3A_202 = tpu.memref_squeeze %dma_start3A_201 : memref<1x512x128xf32, #tpu.memory_space<hbm>> -> memref<512x128xf32, #tpu.memory_space<hbm>>
      %dma_start3A_203 = arith.constant 0 : i32
      %dma_start3A_204 = tpu.memref_slice %arg8[%run_scoped3A_197, %mul3A_2, %dma_start3A_203] : memref<7x16384x128xf32, #tpu.memory_space<hbm>> -> memref<1x512x128xf32, #tpu.memory_space<hbm>>
      %dma_start3A_205 = tpu.memref_squeeze %dma_start3A_204 : memref<1x512x128xf32, #tpu.memory_space<hbm>> -> memref<512x128xf32, #tpu.memory_space<hbm>>
      tpu.enqueue_dma source(%arg10 : memref<512x128xf32, #tpu.memory_space<vmem>>) target(%dma_start3A_205 : memref<512x128xf32, #tpu.memory_space<hbm>>) target_semaphore(%run_scoped3A_199 : memref<!tpu.dma_semaphore, #tpu.memory_space<semaphore_mem>>)
      %dma_wait3A_206 = arith.constant 0 : i32
      %dma_wait3A_207 = tpu.memref_slice %arg8[%run_scoped3A_197, %mul3A_2, %dma_wait3A_206] : memref<7x16384x128xf32, #tpu.memory_space<hbm>> -> memref<1x512x128xf32, #tpu.memory_space<hbm>>
      %dma_wait3A_208 = tpu.memref_squeeze %dma_wait3A_207 : memref<1x512x128xf32, #tpu.memory_space<hbm>> -> memref<512x128xf32, #tpu.memory_space<hbm>>
      %dma_wait3A_209 = arith.constant 0 : i32
      %dma_wait3A_210 = tpu.memref_slice %arg8[%run_scoped3A_197, %mul3A_2, %dma_wait3A_209] : memref<7x16384x128xf32, #tpu.memory_space<hbm>> -> memref<1x512x128xf32, #tpu.memory_space<hbm>>
      %dma_wait3A_211 = tpu.memref_squeeze %dma_wait3A_210 : memref<1x512x128xf32, #tpu.memory_space<hbm>> -> memref<512x128xf32, #tpu.memory_space<hbm>>
      tpu.wait_dma2 semaphore(%run_scoped3A_199 : memref<!tpu.dma_semaphore, #tpu.memory_space<semaphore_mem>>) src(%arg10 : memref<512x128xf32, #tpu.memory_space<vmem>>) dst(%dma_wait3A_211 : memref<512x128xf32, #tpu.memory_space<hbm>>)
      tpu.yield
    }) : () -> ()
    %run_scoped3A_198 = arith.constant 6 : i32
    "tpu.region"() ({
      %run_scoped3A_199 = tpu.sem_alloc : memref<!tpu.dma_semaphore, #tpu.memory_space<semaphore_mem>>
      %dma_start3A_200 = arith.constant 0 : i32
      %dma_start3A_201 = tpu.memref_slice %arg8[%run_scoped3A_198, %mul3A_2, %dma_start3A_200] : memref<7x16384x128xf32, #tpu.memory_space<hbm>> -> memref<1x512x128xf32, #tpu.memory_space<hbm>>
      %dma_start3A_202 = tpu.memref_squeeze %dma_start3A_201 : memref<1x512x128xf32, #tpu.memory_space<hbm>> -> memref<512x128xf32, #tpu.memory_space<hbm>>
      %dma_start3A_203 = arith.constant 0 : i32
      %dma_start3A_204 = tpu.memref_slice %arg8[%run_scoped3A_198, %mul3A_2, %dma_start3A_203] : memref<7x16384x128xf32, #tpu.memory_space<hbm>> -> memref<1x512x128xf32, #tpu.memory_space<hbm>>
      %dma_start3A_205 = tpu.memref_squeeze %dma_start3A_204 : memref<1x512x128xf32, #tpu.memory_space<hbm>> -> memref<512x128xf32, #tpu.memory_space<hbm>>
      tpu.enqueue_dma source(%arg10 : memref<512x128xf32, #tpu.memory_space<vmem>>) target(%dma_start3A_205 : memref<512x128xf32, #tpu.memory_space<hbm>>) target_semaphore(%run_scoped3A_199 : memref<!tpu.dma_semaphore, #tpu.memory_space<semaphore_mem>>)
      %dma_wait3A_206 = arith.constant 0 : i32
      %dma_wait3A_207 = tpu.memref_slice %arg8[%run_scoped3A_198, %mul3A_2, %dma_wait3A_206] : memref<7x16384x128xf32, #tpu.memory_space<hbm>> -> memref<1x512x128xf32, #tpu.memory_space<hbm>>
      %dma_wait3A_208 = tpu.memref_squeeze %dma_wait3A_207 : memref<1x512x128xf32, #tpu.memory_space<hbm>> -> memref<512x128xf32, #tpu.memory_space<hbm>>
      %dma_wait3A_209 = arith.constant 0 : i32
      %dma_wait3A_210 = tpu.memref_slice %arg8[%run_scoped3A_198, %mul3A_2, %dma_wait3A_209] : memref<7x16384x128xf32, #tpu.memory_space<hbm>> -> memref<1x512x128xf32, #tpu.memory_space<hbm>>
      %dma_wait3A_211 = tpu.memref_squeeze %dma_wait3A_210 : memref<1x512x128xf32, #tpu.memory_space<hbm>> -> memref<512x128xf32, #tpu.memory_space<hbm>>
      tpu.wait_dma2 semaphore(%run_scoped3A_199 : memref<!tpu.dma_semaphore, #tpu.memory_space<semaphore_mem>>) src(%arg10 : memref<512x128xf32, #tpu.memory_space<vmem>>) dst(%dma_wait3A_211 : memref<512x128xf32, #tpu.memory_space<hbm>>)
      tpu.yield
    }) : () -> ()
    return
  }
}

</mosaic_0001>

<sc_bundles>
// kernel: kernel.3.cloned.1.call-start
scs
__scs_entry_jumppad:
0x0: {  	(pc) =	sbr.rel $0x88, $3  }
0x1: {  	(tag) =	ssettag $0x0;
	lr =	simm.s32 $0x1  }
0x2: {  	[smem:$0x3F9B] =	sst lr;
	_ =	strace $0xD0000000  }
0x3: {  	_ = 	snop  }
0x4: {  	_ = 	snop  }
0x5: {  	_ = 	snop  }
0x6: {  	_ = 	snop  }
0x7: {  	_ = 	snop  }
__scs_overlays_trampoline_lowered:
0x8: {  	[smem:$0x3FAA] =	sst s0  }
0x9: {  	[smem:$0x3FAB] =	sst s1  }
0xa: {  	[smem:$0x3FAC] =	sst s2  }
0xb: {  	[smem:$0x3FAD] =	sst s3  }
0xc: {  	[smem:$0x3FAE] =	sst s4  }
0xd: {  	[smem:$0x3FAF] =	sst s5  }
0xe: {  	[smem:$0x3FB0] =	sst s6  }
0xf: {  	[smem:$0x3FB1] =	sst s7  }
0x10: {  	[smem:$0x3FB2] =	sst s8  }
0x11: {  	[smem:$0x3FB3] =	sst s9;
	s0 =	simm.s32 @!p0 $0x0  }
0x12: {  	s1 =	sld [smem:$0x3F99];
	s0 =	simm.s32 @p0 $0x1  }
0x13: {  	[smem:$0x3FB4] =	sst s0;
	s0 =	simm.s32 @!p1 $0x0  }
0x14: {  	s2 =	sld [smem:$0x3F98];
	s0 =	simm.s32 @p1 $0x1  }
0x15: {  	[smem:$0x3FB5] =	sst s0;
	s0 =	simm.s32 @!p2 $0x0  }
0x16: {  	s3 =	sld [smem:$0x3FDB];
	s0 =	simm.s32 @p2 $0x1  }
0x17: {  	s4 =	simm.s32 $0x1BF5;
	[smem:$0x3FB7] =	sst s0  }
0x18: {  	s0 =	sld [smem:$0x3F9A];
	_ =	swait.ge [sflag:s4], $0x0  }
0x19: {  	s7 =	sld [smem:$0x3F9B]  }
0x1a: {  	s8 =	sadd.s32 $0xFFFFE003, lr  }
0x1b: {  	s9 =	sadd.s32 $0xFFFFFEF7, lr;
	s5 =	simm.s32 $0xFFFFFFFF;
	p2 =	slt.u32 s8, $0xFFFFF086  }
0x1c: {  	p1 =	slt.u32 s9, $0xF7A;
	s5 =	simm.s32 @!p2 $0x0  }
0x1d: {  	s5 =	simm.s32 @p1 $0x1;
	p0 =	seq.s32 s7, s2  }
0x1e: {  	s7 =	smul.u32 @!p0 $0xF7A, s2;
	p2 =	seq.s32 @!p0 s5, $0x0  }
0x1f: {  	s9 =	smul.u32 $0xF7A, s1;
	s8 =	simm.s32 @!p0 $0x1BF5;
	p2 =	por !p2, p0  }
0x20: {  	[sflag:s8] =	ssyncset.s32 @!p0 $0xFFFFF086;
	s6 =	sadd.s32 @!p0 s3, s7;
	s7 =	simm.s32 @!p0 $0x108  }
0x21: {  	s3 =	sadd.s32 s3, s9;
	s6 =	sadd.s32 @!p0 $0x88, s6;
	s7 =	simm.s32 @p2 $0x1082  }
0x22: {  	[simem:s7], [sflag:s8] =	dma.local @!p0 [hbm:s6], $0xF7A  }
0x23: {  	s9 =	sor.u32 $0xD0000000, s2;
	s6 =	simm.s32 $0x108;
	_ =	swait.ge @!p0 [sflag:s8], $0x0  }
0x24: {  	s3 =	sadd.s32 $0x88, s3;
	s6 =	simm.s32 @!p1 $0x1082;
	[sflag:s4] =	ssyncset.s32 $0xFFFFF086  }
0x25: {  	[simem:s6], [sflag:s4] =	dma.local [hbm:s3], $0xF7A  }
0x26: {  	[smem:$0x3F9B] =	sst s1;
	(tag) =	ssettag s2;
	_ =	strace s9  }
0x27: {  	s1 =	sld [smem:$0x3FAB]  }
0x28: {  	s2 =	sld [smem:$0x3FAC]  }
0x29: {  	s4 =	sld [smem:$0x3FAE]  }
0x2a: {  	p0 =	seq.s32 s5, $0x0;
	s5 =	sld [smem:$0x3FAF]  }
0x2b: {  	s6 =	sld [smem:$0x3FB0]  }
0x2c: {  	s7 =	sld [smem:$0x3FB1]  }
0x2d: {  	s3 =	simm.s32 $0x108;
	s8 =	sld [smem:$0x3FB2]  }
0x2e: {  	s3 =	simm.s32 @!p0 $0x1082;
	s9 =	sld [smem:$0x3FB3]  }
0x2f: {  	lr =	sadd.s32 s0, s3;
	s0 =	sld [smem:$0x3FAA]  }
0x30: {  	s3 =	sld [smem:$0x3FAD]  }
0x31: {  	[smem:$0x3FB6] =	sst s10  }
0x32: {  	s10 =	sld [smem:$0x3FB4];
	_ =	sdelay $0x3  }
0x33: {  	p0 =	seq.s32 s10, $0x1;
	s10 =	sld [smem:$0x3FB6];
	_ =	sdelay $0x3  }
0x34: {  	[smem:$0x3FB6] =	sst s10  }
0x35: {  	s10 =	sld [smem:$0x3FB5];
	_ =	sdelay $0x3  }
0x36: {  	p1 =	seq.s32 s10, $0x1;
	s10 =	sld [smem:$0x3FB6];
	_ =	sdelay $0x3  }
0x37: {  	[smem:$0x3FB6] =	sst s10  }
0x38: {  	s10 =	sld [smem:$0x3FB7]  }
0x39: {  	_ = 	snop;
	(pc) =	sbr.ind lr, $3  }
0x3a: {  	_ = 	snop  }
0x3b: {  	_ = 	snop  }
0x3c: {  	p2 =	seq.s32 s10, $0x1;
	s10 =	sld [smem:$0x3FB6]  }
0x3d: {  	_ =	shalt  }
0x3e: {  	_ =	shalt  }
0x3f: {  	_ =	shalt  }
0x40: {  	_ =	shalt  }
0x41: {  	_ =	shalt  }
0x42: {  	_ =	shalt  }
0x43: {  	_ =	shalt  }
0x44: {  	_ =	shalt  }
0x45: {  	_ =	shalt  }
0x46: {  	_ =	shalt  }
0x47: {  	_ =	shalt  }
0x48: {  	_ =	shalt  }
0x49: {  	_ =	shalt  }
0x4a: {  	_ =	shalt  }
0x4b: {  	_ =	shalt  }
0x4c: {  	_ =	shalt  }
0x4d: {  	_ =	shalt  }
0x4e: {  	_ =	shalt  }
0x4f: {  	_ =	shalt  }
0x50: {  	_ =	shalt  }
0x51: {  	_ =	shalt  }
0x52: {  	_ =	shalt  }
0x53: {  	_ =	shalt  }
0x54: {  	_ =	shalt  }
0x55: {  	_ =	shalt  }
0x56: {  	_ =	shalt  }
0x57: {  	_ =	shalt  }
0x58: {  	_ =	shalt  }
0x59: {  	_ =	shalt  }
0x5a: {  	_ =	shalt  }
0x5b: {  	_ =	shalt  }
0x5c: {  	_ =	shalt  }
0x5d: {  	_ =	shalt  }
0x5e: {  	_ =	shalt  }
0x5f: {  	_ =	shalt  }
0x60: {  	_ =	shalt  }
0x61: {  	_ =	shalt  }
0x62: {  	_ =	shalt  }
0x63: {  	_ =	shalt  }
0x64: {  	_ =	shalt  }
0x65: {  	_ =	shalt  }
0x66: {  	_ =	shalt  }
0x67: {  	_ =	shalt  }
0x68: {  	_ =	shalt  }
0x69: {  	_ =	shalt  }
0x6a: {  	_ =	shalt  }
0x6b: {  	_ =	shalt  }
0x6c: {  	_ =	shalt  }
0x6d: {  	_ =	shalt  }
0x6e: {  	_ =	shalt  }
0x6f: {  	_ =	shalt  }
0x70: {  	_ =	shalt  }
0x71: {  	_ =	shalt  }
0x72: {  	_ =	shalt  }
0x73: {  	_ =	shalt  }
0x74: {  	_ =	shalt  }
0x75: {  	_ =	shalt  }
0x76: {  	_ =	shalt  }
0x77: {  	_ =	shalt  }
0x78: {  	_ =	shalt  }
0x79: {  	_ =	shalt  }
0x7a: {  	_ =	shalt  }
0x7b: {  	_ =	shalt  }
0x7c: {  	_ =	shalt  }
0x7d: {  	_ =	shalt  }
0x7e: {  	_ =	shalt  }
0x7f: {  	_ =	shalt  }
0x80: {  	_ =	shalt  }
0x81: {  	_ =	shalt  }
0x82: {  	_ =	shalt  }
0x83: {  	_ =	shalt  }
0x84: {  	_ =	shalt  }
0x85: {  	_ =	shalt  }
0x86: {  	_ =	shalt  }
0x87: {  	_ =	shalt  }
.Lfunc_end0:
.L_simem_size_0:
called_computation_lowered:
.L_overlay_start_0:
0x88: {  	s2 =	sld [smem:$0x3FD9]  }
0x89: {  	s3 =	sld [smem:$0x3FFE];
	_ =	sdelay $0x1  }
0x8a: {  	s1 =	srdreg.scid  }
0x8b: {  	s0 =	sand.u32 $0x1, s1  }
0x8c: {  	s18 =	sshll.u32 s0, $0xA;
	s2 =	sadd.s32 s3, s2  }
0x8d: {  	s2 =	sadd.s32 s2, s18  }
0x8e: {  	[smem:$0x3FC2] =	sst s2  }
0x8f: {  	_ = 	snop  }
0x90: {  	s2 =	sld [smem:$0x3FC9]  }
0x91: {  	s19 =	sld [smem:$0x3FC8]  }
0x92: {  	s4 =	sld [smem:$0x3FC7]  }
0x93: {  	s5 =	sld [smem:$0x3FC6]  }
0x94: {  	s6 =	sld [smem:$0x3FC5]  }
0x95: {  	s7 =	sld [smem:$0x3FC4]  }
0x96: {  	s8 =	sld [smem:$0x3FD0];
	(tm) =	ssettm $0x1  }
0x97: {  	s9 =	sld [smem:$0x3FFB];
	_ =	sdelay $0x3  }
0x98: {  	_ =	strace s9  }
0x99: {  	s9 =	sld [smem:$0x3FFC];
	_ =	sdelay $0x3  }
0x9a: {  	_ =	strace s9  }
0x9b: {  	s9 =	sld [smem:$0x3FFD];
	_ =	sdelay $0x3  }
0x9c: {  	_ =	strace s9  }
0x9d: {  	_ =	strace $0x8FFFFFFF  }
0x9e: {  	s20 =	sld [smem:$0x3FDB];
	_ =	sdelay $0x1  }
0x9f: {  	s10 =	simm.s32 $_scs_section_size  }
0xa0: {  	s11 =	simm.s32 $_size__tile_overlayer_lowered;
	s12 =	simm.s32 $_tile_overlayer_lowered  }
0xa1: {  	s23 =	simm.s32 $0x1BFF;
	s22 =	sshll.u32 s12, $0x1;
	s9 =	sadd.s32 s10, s20  }
0xa2: {  	s13 =	simm.s32 $0x0;
	s21 =	sshll.u32 s11, $0x1;
	s11 =	sadd.s32 s22, s9  }
0xa3: {  	[timem:s13], [sflag:s23] =	dma.local [hbm:s11], s21  }
0xa4: {  	_ =	swait.ge [sflag:s23], s21  }
0xa5: {  	s10 =	ssub.s32 $0x0, s21;
	[sflag:s23] =	ssyncset.done $0x0  }
0xa6: {  	[sflag:s23] =	ssyncadd.s32 s10;
	_ =	sdelay $0x1  }
0xa7: {  	s24 =	simm.s32 $0x1B8B  }
0xa8: {  	_ =	swait.ge [sflag:s24], $0x1  }
0xa9: {  	[sflag:s24] =	ssyncset.done $0x0  }
0xaa: {  	s25 =	simm.s32 $0x1B8E;
	[sflag:s24] =	ssyncadd.s32 $0xFFFFFFFF  }
0xab: {  	s26 =	simm.s32 $execute0_lowered;
	[smem:$0x3FD2] =	sst s25  }
0xac: {  	s10 =	sshll.u32 s26, $0x1;
	_ =	strace $0x80000046;
	[dreg:$0x1] =	wrdreg $0xFFFFFFFF  }
0xad: {  	s28 =	simm.s32 $_size_execute0_lowered;
	s9 =	sadd.s32 s9, s10;
	[dreg:$0x0] =	wrdreg $0x0  }
0xae: {  	s10 =	sshll.u32 s28, $0x1;
	[dreg:$0x2] =	wrdreg s9  }
0xaf: {  	[dreg:$0x3] =	wrdreg s10  }
0xb0: {  	[dreg:$0x4] =	wrdreg $0xC0  }
0xb1: {  	_ =	task [dreg:s13], $0x5FFFF  }
0xb2: {  	[dreg:$0x1] =	wrdreg $0xFFFFFFFF  }
0xb3: {  	[dreg:$0x0] =	wrdreg $0x60  }
0xb4: {  	[dreg:$0x2] =	wrdreg s2  }
0xb5: {  	[dreg:$0x3] =	wrdreg s19  }
0xb6: {  	[dreg:$0x4] =	wrdreg s4  }
0xb7: {  	[dreg:$0x5] =	wrdreg s5  }
0xb8: {  	[dreg:$0x6] =	wrdreg s6  }
0xb9: {  	[dreg:$0x7] =	wrdreg s7  }
0xba: {  	[dreg:$0x8] =	wrdreg s8  }
0xbb: {  	[dreg:$0x9] =	wrdreg $0x9  }
0xbc: {  	_ =	task.clear_ibuf [dreg:s13], $0xAFFFF;
	_ =	strace $0x90000046  }
0xbd: {  	s29 =	simm.s32 $0x9;
	_ =	strace $0x80000048  }
0xbe: {  	_ =	swait.ge [sflag:s29], $0x1  }
0xbf: {  	[sflag:s29] =	ssyncadd.s32 $0xFFFFFFFF  }
0xc0: {  	_ =	strace $0x90000048  }
0xc1: {  	_ =	sfence  }
0xc2: {  	s30 =	sld [smem:$0x0];
	_ =	sdelay $0x2  }
0xc3: {  	s31 =	sshll.u32 s1, $0xD;
	s1 =	sshrl.u32 s1, $0x2  }
0xc4: {  	s3 =	sand.u32 $0x4000, s31;
	s1 =	sadd.s32 s1, s30  }
0xc5: {  	s0 =	sor.u32 s3, s0;
	s1 =	sshll.u32 s1, $0x11  }
0xc6: {  	s0 =	sor.u32 s1, s0  }
0xc7: {  	s0 =	sadd.s32 $0x8F2B, s0  }
0xc8: {  	[sflag:s0] =	ssyncadd.remote.s32 $0x1  }
0xc9: {  	_ =	sfence.sel $0xFFFF  }
0xca: {  	[dreg:$0x0] =	wrdreg $0xFFFFFFFF;
	(pc) =	sbr.abs _section_cstart, $3  }
0xcb: {  	[dreg:$0x1] =	wrdreg $0xFFFFFFFF  }
0xcc: {  	_ =	task.clear_ibuf [dreg:s13], $0x2FFFF;
	_ =	strace $0x9FFFFFFF  }
0xcd: {  	(tm) =	ssettm $0x7FFFFFFF  }
tec
execute0_lowered:
.L_overlay_start_1:
0x0: {  	(tag) =	ssettag $0x1  }
0x1: {  	s6 =	rddreg [dreg:$0x0]  }
0x2: {  	s19 =	rddreg [dreg:$0x1]  }
0x3: {  	s22 =	rddreg [dreg:$0x2]  }
0x4: {  	s1 =	rddreg [dreg:$0x3]  }
0x5: {  	s2 =	rddreg [dreg:$0x4];
	s3 =	srdreg.scid  }
0x6: {  	s4 =	rddreg [dreg:$0x5];
	s0 =	stileid.u32;
	s23 =	sand.u32 $0x1, s3  }
0x7: {  	s16 =	rddreg [dreg:$0x6];
	s7 =	sshll.u32 s0, $0xA;
	s8 =	sshll.u32 s23, $0x9  }
0x8: {  	s5 =	simm.s32 $0x0;
	s3 =	rddreg [dreg:$0x7];
	s17 =	sor.u32 s8, s7  }
0x9: {  	[smem:$0x7FF] =	sst s5;
	s24 =	sshrl.u32 s17, $0x3  }
0xa: {  	_ =	strace $0x80000047;
	s7 =	sadd.s32 s6, s24;
	s6 =	simm.s32 $0x2  }
0xb: {  	[tilespmem:s5], [sflag:$0x2] =	stream.linear.gather [hbm4b:s7+s5], $0x200, $0x38;
	[tilespmem:$0x10200] =	vst v63  }
0xc: {  	_ =	swait.ge [sflag:s6], $0x200  }
0xd: {  	[sflag:s6] =	ssyncset.done $0x0  }
0xe: {  	s9 =	simm.s32 $0x200;
	s8 =	simm.s32 $0x80;
	[sflag:s6] =	ssyncadd.s32 $0xFFFFFE00  }
0xf: {  	[tilespmem:s9], [sflag:$0x1] =	stream.indirect.gather [hbm4b:s1+s8], $0x80, s5, s8, $0xb8;
	[tilespmem:$0x10200] =	vst v63  }
0x10: {  	s10 =	simm.s32 $0x4200  }
0x11: {  	[tilespmem:s10], [sflag:$0x1] =	stream.indirect.gather [hbm4b:s1+s8], $0x80, s8, s8, $0xb8;
	[tilespmem:$0x10200] =	vst v63  }
0x12: {  	s11 =	simm.s32 $0x100;
	s12 =	simm.s32 $0x8200  }
0x13: {  	[tilespmem:s12], [sflag:$0x1] =	stream.indirect.gather [hbm4b:s1+s8], $0x80, s11, s8, $0xb8;
	[tilespmem:$0x10200] =	vst v63  }
0x14: {  	s13 =	simm.s32 $0x180;
	s14 =	simm.s32 $0xC200;
	s15 =	simm.s32 $0x1  }
0x15: {  	[tilespmem:s14], [sflag:$0x1] =	stream.indirect.gather [hbm4b:s1+s8], $0x80, s13, s8, $0xb8;
	[tilespmem:$0x10200] =	vst v63  }
0x16: {  	_ =	swait.ge [sflag:s15], $0x4000  }
0x17: {  	[sflag:s15] =	ssyncset.done $0x0  }
0x18: {  	[sflag:s15] =	ssyncadd.s32 $0xFFFFC000  }
0x19: {  	_ =	swait.ge [sflag:s15], $0x4000  }
0x1a: {  	[sflag:s15] =	ssyncset.done $0x0  }
0x1b: {  	[sflag:s15] =	ssyncadd.s32 $0xFFFFC000  }
0x1c: {  	_ =	swait.ge [sflag:s15], $0x4000  }
0x1d: {  	[sflag:s15] =	ssyncset.done $0x0  }
0x1e: {  	[sflag:s15] =	ssyncadd.s32 $0xFFFFC000  }
0x1f: {  	_ =	swait.ge [sflag:s15], $0x4000  }
0x20: {  	s17 =	sshll.u32 s17, $0x4;
	[sflag:s15] =	ssyncset.done $0x0  }
0x21: {  	s16 =	sadd.s32 s16, s17;
	[sflag:s15] =	ssyncadd.s32 $0xFFFFC000  }
0x22: {  	[hbm4b:s16+s5] =	stream.linear.scatter [tilespmem:s9], [sflag:$0x2], $0x10000, $0x38;
	[tilespmem:$0x10200] =	vst v63  }
0x23: {  	_ =	swait.ge [sflag:s6], $0x10000  }
0x24: {  	[sflag:s6] =	ssyncset.done $0x0  }
0x25: {  	s17 =	sadd.s32 $0x40000, s16;
	[sflag:s6] =	ssyncadd.s32 $0xFFFF0000  }
0x26: {  	[hbm4b:s17+s5] =	stream.linear.scatter [tilespmem:s9], [sflag:$0x2], $0x10000, $0x38;
	[tilespmem:$0x10200] =	vst v63  }
0x27: {  	_ =	swait.ge [sflag:s6], $0x10000  }
0x28: {  	[sflag:s6] =	ssyncset.done $0x0  }
0x29: {  	s18 =	sadd.s32 $0x80000, s16;
	[sflag:s6] =	ssyncadd.s32 $0xFFFF0000  }
0x2a: {  	[hbm4b:s18+s5] =	stream.linear.scatter [tilespmem:s9], [sflag:$0x2], $0x10000, $0x38;
	[tilespmem:$0x10200] =	vst v63  }
0x2b: {  	_ =	swait.ge [sflag:s6], $0x10000  }
0x2c: {  	[sflag:s6] =	ssyncset.done $0x0  }
0x2d: {  	s19 =	sadd.s32 s19, s24;
	[sflag:s6] =	ssyncadd.s32 $0xFFFF0000  }
0x2e: {  	[tilespmem:s5], [sflag:$0x2] =	stream.linear.gather [hbm4b:s19+s5], $0x200, $0x38;
	[tilespmem:$0x10200] =	vst v63  }
0x2f: {  	_ =	swait.ge [sflag:s6], $0x200  }
0x30: {  	[sflag:s6] =	ssyncset.done $0x0  }
0x31: {  	[sflag:s6] =	ssyncadd.s32 $0xFFFFFE00  }
0x32: {  	[tilespmem:s9], [sflag:$0x1] =	stream.indirect.gather [hbm4b:s2+s8], $0x80, s5, s8, $0xb8;
	[tilespmem:$0x10200] =	vst v63  }
0x33: {  	_ = 	snop  }
0x34: {  	[tilespmem:s10], [sflag:$0x1] =	stream.indirect.gather [hbm4b:s2+s8], $0x80, s8, s8, $0xb8;
	[tilespmem:$0x10200] =	vst v63  }
0x35: {  	_ = 	snop  }
0x36: {  	[tilespmem:s12], [sflag:$0x1] =	stream.indirect.gather [hbm4b:s2+s8], $0x80, s11, s8, $0xb8;
	[tilespmem:$0x10200] =	vst v63  }
0x37: {  	_ = 	snop  }
0x38: {  	[tilespmem:s14], [sflag:$0x1] =	stream.indirect.gather [hbm4b:s2+s8], $0x80, s13, s8, $0xb8;
	[tilespmem:$0x10200] =	vst v63  }
0x39: {  	_ =	swait.ge [sflag:s15], $0x4000  }
0x3a: {  	[sflag:s15] =	ssyncset.done $0x0  }
0x3b: {  	[sflag:s15] =	ssyncadd.s32 $0xFFFFC000  }
0x3c: {  	_ =	swait.ge [sflag:s15], $0x4000  }
0x3d: {  	[sflag:s15] =	ssyncset.done $0x0  }
0x3e: {  	[sflag:s15] =	ssyncadd.s32 $0xFFFFC000  }
0x3f: {  	_ =	swait.ge [sflag:s15], $0x4000  }
0x40: {  	[sflag:s15] =	ssyncset.done $0x0  }
0x41: {  	[sflag:s15] =	ssyncadd.s32 $0xFFFFC000  }
0x42: {  	_ =	swait.ge [sflag:s15], $0x4000  }
0x43: {  	[sflag:s15] =	ssyncset.done $0x0  }
0x44: {  	s20 =	sadd.s32 $0xC0000, s16;
	[sflag:s15] =	ssyncadd.s32 $0xFFFFC000  }
0x45: {  	[hbm4b:s20+s5] =	stream.linear.scatter [tilespmem:s9], [sflag:$0x2], $0x10000, $0x38;
	[tilespmem:$0x10200] =	vst v63  }
0x46: {  	_ =	swait.ge [sflag:s6], $0x10000  }
0x47: {  	[sflag:s6] =	ssyncset.done $0x0  }
0x48: {  	s21 =	sadd.s32 $0x100000, s16;
	[sflag:s6] =	ssyncadd.s32 $0xFFFF0000  }
0x49: {  	[hbm4b:s21+s5] =	stream.linear.scatter [tilespmem:s9], [sflag:$0x2], $0x10000, $0x38;
	[tilespmem:$0x10200] =	vst v63  }
0x4a: {  	_ =	swait.ge [sflag:s6], $0x10000  }
0x4b: {  	[sflag:s6] =	ssyncset.done $0x0  }
0x4c: {  	s22 =	sadd.s32 s22, s24;
	[sflag:s6] =	ssyncadd.s32 $0xFFFF0000  }
0x4d: {  	[tilespmem:s5], [sflag:$0x2] =	stream.linear.gather [hbm4b:s22+s5], $0x200, $0x38;
	[tilespmem:$0x10200] =	vst v63  }
0x4e: {  	_ =	swait.ge [sflag:s6], $0x200  }
0x4f: {  	[sflag:s6] =	ssyncset.done $0x0  }
0x50: {  	[sflag:s6] =	ssyncadd.s32 $0xFFFFFE00  }
0x51: {  	[tilespmem:s9], [sflag:$0x1] =	stream.indirect.gather [hbm4b:s4+s8], $0x80, s5, s8, $0xb8;
	[tilespmem:$0x10200] =	vst v63  }
0x52: {  	_ = 	snop  }
0x53: {  	[tilespmem:s10], [sflag:$0x1] =	stream.indirect.gather [hbm4b:s4+s8], $0x80, s8, s8, $0xb8;
	[tilespmem:$0x10200] =	vst v63  }
0x54: {  	_ = 	snop  }
0x55: {  	[tilespmem:s12], [sflag:$0x1] =	stream.indirect.gather [hbm4b:s4+s8], $0x80, s11, s8, $0xb8;
	[tilespmem:$0x10200] =	vst v63  }
0x56: {  	_ = 	snop  }
0x57: {  	[tilespmem:s14], [sflag:$0x1] =	stream.indirect.gather [hbm4b:s4+s8], $0x80, s13, s8, $0xb8;
	[tilespmem:$0x10200] =	vst v63  }
0x58: {  	_ =	swait.ge [sflag:s15], $0x4000  }
0x59: {  	[sflag:s15] =	ssyncset.done $0x0  }
0x5a: {  	[sflag:s15] =	ssyncadd.s32 $0xFFFFC000  }
0x5b: {  	_ =	swait.ge [sflag:s15], $0x4000  }
0x5c: {  	[sflag:s15] =	ssyncset.done $0x0  }
0x5d: {  	[sflag:s15] =	ssyncadd.s32 $0xFFFFC000  }
0x5e: {  	_ =	swait.ge [sflag:s15], $0x4000  }
0x5f: {  	[sflag:s15] =	ssyncset.done $0x0  }
0x60: {  	s31 =	ssub.s32 $0x2, s23;
	[sflag:s15] =	ssyncadd.s32 $0xFFFFC000  }
0x61: {  	s25 =	sshrl.u32 s31, $0x1;
	_ =	swait.ge [sflag:s15], $0x4000  }
0x62: {  	s25 =	ssub.s32 s31, s25;
	[sflag:s15] =	ssyncset.done $0x0  }
0x63: {  	s25 =	smax.u32 s25, $0x1;
	s23 =	sadd.s32 $0x140000, s16;
	[sflag:s15] =	ssyncadd.s32 $0xFFFFC000  }
0x64: {  	[hbm4b:s23+s5] =	stream.linear.scatter [tilespmem:s9], [sflag:$0x2], $0x10000, $0x38;
	[tilespmem:$0x10200] =	vst v63  }
0x65: {  	p0 =	sne.s32 s25, $0x1;
	_ =	swait.ge [sflag:s6], $0x10000  }
.Ltmp0:
0x66: {  	[sflag:s6] =	ssyncset.done $0x0;
	(pc) =	sbr.rel @!p0 .LBB2_2-.Ltmp0, $4  }
0x67: {  	s24 =	sadd.s32 $0x180000, s16;
	[sflag:s6] =	ssyncadd.s32 $0xFFFF0000  }
0x68: {  	[hbm4b:s24+s5] =	stream.linear.scatter [tilespmem:s9], [sflag:$0x2], $0x10000, $0x38;
	[tilespmem:$0x10200] =	vst v63  }
0x69: {  	_ =	swait.ge [sflag:s6], $0x10000  }
0x6a: {  	s25 =	sadd.s32 $0xFFFFFFFF, s25;
	[sflag:s6] =	ssyncset.done $0x0  }
.LBB2_1:
0x6b: {  	p0 =	sne.s32 s25, $0x1;
	s25 =	sadd.s32 $0xFFFFFFFF, s25;
	[sflag:s6] =	ssyncadd.s32 $0xFFFF0000  }
0x6c: {  	[tilespmem:s5], [sflag:$0x2] =	stream.linear.gather [hbm4b:s7+s5], $0x200, $0x38;
	[tilespmem:$0x10200] =	vst v63  }
0x6d: {  	_ =	swait.ge [sflag:s6], $0x200  }
0x6e: {  	[sflag:s6] =	ssyncset.done $0x0  }
0x6f: {  	[sflag:s6] =	ssyncadd.s32 $0xFFFFFE00  }
0x70: {  	[tilespmem:s9], [sflag:$0x1] =	stream.indirect.gather [hbm4b:s1+s8], $0x80, s5, s8, $0xb8;
	[tilespmem:$0x10200] =	vst v63  }
0x71: {  	_ = 	snop  }
0x72: {  	[tilespmem:s10], [sflag:$0x1] =	stream.indirect.gather [hbm4b:s1+s8], $0x80, s8, s8, $0xb8;
	[tilespmem:$0x10200] =	vst v63  }
0x73: {  	_ = 	snop  }
0x74: {  	[tilespmem:s12], [sflag:$0x1] =	stream.indirect.gather [hbm4b:s1+s8], $0x80, s11, s8, $0xb8;
	[tilespmem:$0x10200] =	vst v63  }
0x75: {  	_ = 	snop  }
0x76: {  	[tilespmem:s14], [sflag:$0x1] =	stream.indirect.gather [hbm4b:s1+s8], $0x80, s13, s8, $0xb8;
	[tilespmem:$0x10200] =	vst v63  }
0x77: {  	_ =	swait.ge [sflag:s15], $0x4000  }
0x78: {  	[sflag:s15] =	ssyncset.done $0x0  }
0x79: {  	[sflag:s15] =	ssyncadd.s32 $0xFFFFC000  }
0x7a: {  	_ =	swait.ge [sflag:s15], $0x4000  }
0x7b: {  	[sflag:s15] =	ssyncset.done $0x0  }
0x7c: {  	[sflag:s15] =	ssyncadd.s32 $0xFFFFC000  }
0x7d: {  	_ =	swait.ge [sflag:s15], $0x4000  }
0x7e: {  	[sflag:s15] =	ssyncset.done $0x0  }
0x7f: {  	[sflag:s15] =	ssyncadd.s32 $0xFFFFC000  }
0x80: {  	_ =	swait.ge [sflag:s15], $0x4000  }
0x81: {  	[sflag:s15] =	ssyncset.done $0x0  }
0x82: {  	[sflag:s15] =	ssyncadd.s32 $0xFFFFC000  }
0x83: {  	[hbm4b:s16+s5] =	stream.linear.scatter [tilespmem:s9], [sflag:$0x2], $0x10000, $0x38;
	[tilespmem:$0x10200] =	vst v63  }
0x84: {  	_ =	swait.ge [sflag:s6], $0x10000  }
0x85: {  	[sflag:s6] =	ssyncset.done $0x0  }
0x86: {  	[sflag:s6] =	ssyncadd.s32 $0xFFFF0000  }
0x87: {  	[hbm4b:s17+s5] =	stream.linear.scatter [tilespmem:s9], [sflag:$0x2], $0x10000, $0x38;
	[tilespmem:$0x10200] =	vst v63  }
0x88: {  	_ =	swait.ge [sflag:s6], $0x10000  }
0x89: {  	[sflag:s6] =	ssyncset.done $0x0  }
0x8a: {  	[sflag:s6] =	ssyncadd.s32 $0xFFFF0000  }
0x8b: {  	[hbm4b:s18+s5] =	stream.linear.scatter [tilespmem:s9], [sflag:$0x2], $0x10000, $0x38;
	[tilespmem:$0x10200] =	vst v63  }
0x8c: {  	_ =	swait.ge [sflag:s6], $0x10000  }
0x8d: {  	[sflag:s6] =	ssyncset.done $0x0  }
0x8e: {  	[sflag:s6] =	ssyncadd.s32 $0xFFFF0000  }
0x8f: {  	[tilespmem:s5], [sflag:$0x2] =	stream.linear.gather [hbm4b:s19+s5], $0x200, $0x38;
	[tilespmem:$0x10200] =	vst v63  }
0x90: {  	_ =	swait.ge [sflag:s6], $0x200  }
0x91: {  	[sflag:s6] =	ssyncset.done $0x0  }
0x92: {  	[sflag:s6] =	ssyncadd.s32 $0xFFFFFE00  }
0x93: {  	[tilespmem:s9], [sflag:$0x1] =	stream.indirect.gather [hbm4b:s2+s8], $0x80, s5, s8, $0xb8;
	[tilespmem:$0x10200] =	vst v63  }
0x94: {  	_ = 	snop  }
0x95: {  	[tilespmem:s10], [sflag:$0x1] =	stream.indirect.gather [hbm4b:s2+s8], $0x80, s8, s8, $0xb8;
	[tilespmem:$0x10200] =	vst v63  }
0x96: {  	_ = 	snop  }
0x97: {  	[tilespmem:s12], [sflag:$0x1] =	stream.indirect.gather [hbm4b:s2+s8], $0x80, s11, s8, $0xb8;
	[tilespmem:$0x10200] =	vst v63  }
0x98: {  	_ = 	snop  }
0x99: {  	[tilespmem:s14], [sflag:$0x1] =	stream.indirect.gather [hbm4b:s2+s8], $0x80, s13, s8, $0xb8;
	[tilespmem:$0x10200] =	vst v63  }
0x9a: {  	_ =	swait.ge [sflag:s15], $0x4000  }
0x9b: {  	[sflag:s15] =	ssyncset.done $0x0  }
0x9c: {  	[sflag:s15] =	ssyncadd.s32 $0xFFFFC000  }
0x9d: {  	_ =	swait.ge [sflag:s15], $0x4000  }
0x9e: {  	[sflag:s15] =	ssyncset.done $0x0  }
0x9f: {  	[sflag:s15] =	ssyncadd.s32 $0xFFFFC000  }
0xa0: {  	_ =	swait.ge [sflag:s15], $0x4000  }
0xa1: {  	[sflag:s15] =	ssyncset.done $0x0  }
0xa2: {  	[sflag:s15] =	ssyncadd.s32 $0xFFFFC000  }
0xa3: {  	_ =	swait.ge [sflag:s15], $0x4000  }
0xa4: {  	[sflag:s15] =	ssyncset.done $0x0  }
0xa5: {  	[sflag:s15] =	ssyncadd.s32 $0xFFFFC000  }
0xa6: {  	[hbm4b:s20+s5] =	stream.linear.scatter [tilespmem:s9], [sflag:$0x2], $0x10000, $0x38;
	[tilespmem:$0x10200] =	vst v63  }
0xa7: {  	_ =	swait.ge [sflag:s6], $0x10000  }
0xa8: {  	[sflag:s6] =	ssyncset.done $0x0  }
0xa9: {  	[sflag:s6] =	ssyncadd.s32 $0xFFFF0000  }
0xaa: {  	[hbm4b:s21+s5] =	stream.linear.scatter [tilespmem:s9], [sflag:$0x2], $0x10000, $0x38;
	[tilespmem:$0x10200] =	vst v63  }
0xab: {  	_ =	swait.ge [sflag:s6], $0x10000  }
0xac: {  	[sflag:s6] =	ssyncset.done $0x0  }
0xad: {  	[sflag:s6] =	ssyncadd.s32 $0xFFFF0000  }
0xae: {  	[tilespmem:s5], [sflag:$0x2] =	stream.linear.gather [hbm4b:s22+s5], $0x200, $0x38;
	[tilespmem:$0x10200] =	vst v63  }
0xaf: {  	_ =	swait.ge [sflag:s6], $0x200  }
0xb0: {  	[sflag:s6] =	ssyncset.done $0x0  }
0xb1: {  	[sflag:s6] =	ssyncadd.s32 $0xFFFFFE00  }
0xb2: {  	[tilespmem:s9], [sflag:$0x1] =	stream.indirect.gather [hbm4b:s4+s8], $0x80, s5, s8, $0xb8;
	[tilespmem:$0x10200] =	vst v63  }
0xb3: {  	_ = 	snop  }
0xb4: {  	[tilespmem:s10], [sflag:$0x1] =	stream.indirect.gather [hbm4b:s4+s8], $0x80, s8, s8, $0xb8;
	[tilespmem:$0x10200] =	vst v63  }
0xb5: {  	_ = 	snop  }
0xb6: {  	[tilespmem:s12], [sflag:$0x1] =	stream.indirect.gather [hbm4b:s4+s8], $0x80, s11, s8, $0xb8;
	[tilespmem:$0x10200] =	vst v63  }
0xb7: {  	_ = 	snop  }
0xb8: {  	[tilespmem:s14], [sflag:$0x1] =	stream.indirect.gather [hbm4b:s4+s8], $0x80, s13, s8, $0xb8;
	[tilespmem:$0x10200] =	vst v63  }
0xb9: {  	_ =	swait.ge [sflag:s15], $0x4000  }
0xba: {  	[sflag:s15] =	ssyncset.done $0x0  }
0xbb: {  	[sflag:s15] =	ssyncadd.s32 $0xFFFFC000  }
0xbc: {  	_ =	swait.ge [sflag:s15], $0x4000  }
0xbd: {  	[sflag:s15] =	ssyncset.done $0x0  }
0xbe: {  	[sflag:s15] =	ssyncadd.s32 $0xFFFFC000  }
0xbf: {  	_ =	swait.ge [sflag:s15], $0x4000  }
0xc0: {  	[sflag:s15] =	ssyncset.done $0x0  }
0xc1: {  	[sflag:s15] =	ssyncadd.s32 $0xFFFFC000  }
0xc2: {  	_ =	swait.ge [sflag:s15], $0x4000  }
0xc3: {  	[sflag:s15] =	ssyncset.done $0x0  }
0xc4: {  	[sflag:s15] =	ssyncadd.s32 $0xFFFFC000  }
0xc5: {  	[hbm4b:s23+s5] =	stream.linear.scatter [tilespmem:s9], [sflag:$0x2], $0x10000, $0x38;
	[tilespmem:$0x10200] =	vst v63  }
0xc6: {  	_ =	swait.ge [sflag:s6], $0x10000  }
.Ltmp1:
0xc7: {  	[sflag:s6] =	ssyncset.done $0x0;
	(pc) =	sbr.rel @p0 .LBB2_1-.Ltmp1, $4  }
0xc8: {  	[sflag:s6] =	ssyncadd.s32 $0xFFFF0000  }
0xc9: {  	[hbm4b:s24+s5] =	stream.linear.scatter [tilespmem:s9], [sflag:$0x2], $0x10000, $0x38;
	[tilespmem:$0x10200] =	vst v63  }
0xca: {  	_ =	swait.ge [sflag:s6], $0x10000  }
0xcb: {  	[sflag:s6] =	ssyncset.done $0x0  }
.LBB2_2:
0xcc: {  	[sflag:s6] =	ssyncadd.s32 $0xFFFF0000  }
0xcd: {  	_ =	sfence.sel $0x180000  }
0xce: {  	[bflag:$0x0] =	sbarrier.arrive $0xFFFF  }
0xcf: {  	p0 =	sne.s32 s0, $0x0;
	_ =	strace $0x90000047  }
0xd0: {  	s0 =	sadd.s32 @!p0 $0x100000, s3;
	[bflag:$0x2] =	sbarrier.arrive $0xFFFF  }
0xd1: {  	[sflag:s0] =	ssyncadd.tile.s32 @!p0 $0x1;
	_ =	shalt  }
.Lfunc_end2:
_tile_overlayer_lowered:
.L_overlay_start_2:
0xd2: {  	(tag) =	ssettag $0x2  }
0xd3: {  	s0 =	rddreg [dreg:$0x0];
	s2 =	stileid.u32  }
0xd4: {  	s1 =	rddreg [dreg:$0x1];
	p0 =	sne.s32 s2, $0x0  }
0xd5: {  	s3 =	rddreg [dreg:$0x2];
	[bflag:$0x3] =	sbarrier.arrive $0xFFFF;
	s2 =	simm.s32 @!p0 $0x1C02  }
0xd6: {  	[timem:s3], [sflag:s2] =	dma.local @!p0 [hbm:s0], s1  }
0xd7: {  	s0 =	simm.s32 @!p0 $0x2  }
0xd8: {  	_ =	swait.ge @!p0 [sflag:s0], s1  }
0xd9: {  	s1 =	ssub.s32 @!p0 $0x0, s1;
	[sflag:s0] =	ssyncset.done @!p0 $0x0  }
0xda: {  	[sflag:s0] =	ssyncadd.s32 @!p0 s1  }
0xdb: {  	[bflag:$0x3] =	sbarrier.arrive $0xFFFF  }
0xdc: {  	_ =	shalt  }

</sc_bundles>
